<compile_context>
chip_gen: v7x
topology: tpu7x:2x2x1
jax: 0.10.2.dev20260603
libtpu: 0.0.44.dev20260713+nightly
codegen_flags: <defaults>
</compile_context>

<pallas_src>
import jax
import jax.numpy as jnp
from jax import lax
from jax.experimental import pallas as pl
from jax.experimental.pallas import tpu as pltpu
from jax.experimental.pallas import tpu_sc as plsc

B = 8
N_ATOMS = (800, 1000, 1200, 600, 1365, 900, 1100, 700)
N_ANG = tuple(min(n, 1024) for n in N_ATOMS)
N_TOR = tuple(min(n, 819) for n in N_ATOMS)

NBP = 1408
NAP = 1024
NTP = 896
NQ = 4
CB, CA, CT = NBP // NQ, NAP // NQ, NTP // NQ

_PI = 3.14159265358979
_PI_2 = _PI / 2.0
_PI_4 = _PI / 4.0


def _rsqrt(z):
    i = plsc.bitcast(z, jnp.int32)
    y = plsc.bitcast(0x5F3759DF - (i >> 1), jnp.float32)
    for _ in range(3):
        y = y * (1.5 - 0.5 * z * y * y)
    return y


def _sqrt(z):
    return z * _rsqrt(z)


def _atan01(t):
    big = t > 0.4142135623730950
    x = jnp.where(big, (t - 1.0) / (t + 1.0), t)
    z = x * x
    p = (((8.05374449538e-2 * z - 1.38776856032e-1) * z
          + 1.99777106478e-1) * z - 3.33329491539e-1) * z * x + x
    return jnp.where(big, _PI_4 + p, p)


def _atan2(y, x):
    ay = jnp.abs(y)
    ax = jnp.abs(x)
    swap = ay > ax
    num = jnp.minimum(ay, ax)
    den = jnp.maximum(jnp.maximum(ay, ax), 1e-30)
    a = _atan01(num / den)
    a = jnp.where(swap, _PI_2 - a, a)
    a = jnp.where(x < 0.0, _PI - a, a)
    return jnp.where(y < 0.0, -a, a)


def _sel_cnt(m, counts):
    cnt = jnp.int32(counts[0])
    for i in range(1, B):
        cnt = jnp.where(m == i, jnp.int32(counts[i]), cnt)
    return cnt


IDX_B = 4096
IDX_A = IDX_B + 3 * CB
IDX_T = IDX_A + 4 * CA
TBL0 = IDX_T + 5 * CT
TBL_BT = TBL0
TBL_AT = TBL0 + 30
TBL_TT = TBL0 + 56
TBL_TCS = TBL0 + 106
TBL_MU = TBL0 + 156
BLK_LEN = 7488


def _sc_body(blk_hbm, e_hbm, buf_v, acc_v, sem):
    c = lax.axis_index("c")
    s = lax.axis_index("s")
    wid = s * 2 + c
    m = wid // NQ
    q = wid % NQ

    pltpu.async_copy(blk_hbm.at[m, q], buf_v, sem).wait()
    idx_v = buf_v

    def gf(addr):
        return plsc.bitcast(plsc.load_gather(buf_v, [addr]), jnp.float32)

    lane = lax.iota(jnp.int32, 16)

    def g3(idx):
        return gf(idx), gf(idx + 1), gf(idx + 2)

    cntb = _sel_cnt(m, N_ATOMS)
    cnta = _sel_cnt(m, N_ANG)
    cntt = _sel_cnt(m, N_TOR)

    def bond_iter(j, acc):
        i0 = idx_v[pl.ds(IDX_B + j * 16, 16)]
        i1 = idx_v[pl.ds(IDX_B + CB + j * 16, 16)]
        it = idx_v[pl.ds(IDX_B + 2 * CB + j * 16, 16)]
        ax, ay, az = g3(i0)
        bx, by, bz = g3(i1)
        dx, dy, dz = ax - bx, ay - by, az - bz
        it2 = 2 * it
        kb = gf(it2 + TBL_BT)
        r0 = gf(it2 + (TBL_BT + 1))
        r = _sqrt(dx * dx + dy * dy + dz * dz + 1e-12)
        e = kb * (r - r0) * (r - r0)
        valid = (q * CB + j * 16 + lane) < cntb
        return acc + jnp.where(valid, e, 0.0)

    def ang_iter(j, acc):
        i0 = idx_v[pl.ds(IDX_A + j * 16, 16)]
        i1 = idx_v[pl.ds(IDX_A + CA + j * 16, 16)]
        i2 = idx_v[pl.ds(IDX_A + 2 * CA + j * 16, 16)]
        it = idx_v[pl.ds(IDX_A + 3 * CA + j * 16, 16)]
        ax, ay, az = g3(i0)
        bx, by, bz = g3(i1)
        cx, cy, cz = g3(i2)
        ux, uy, uz = ax - bx, ay - by, az - bz
        vx, vy, vz = cx - bx, cy - by, cz - bz
        uu = ux * ux + uy * uy + uz * uz + 1e-12
        vv = vx * vx + vy * vy + vz * vz + 1e-12
        uv = ux * vx + uy * vy + uz * vz
        it2 = 2 * it
        ka = gf(it2 + TBL_AT)
        t0 = gf(it2 + (TBL_AT + 1))
        cosang = uv * _rsqrt(uu) * _rsqrt(vv)
        cosang = jnp.clip(cosang, -0.999999, 0.999999)
        theta = _atan2(_sqrt(1.0 - cosang * cosang), cosang)
        e = ka * (theta - t0) * (theta - t0)
        valid = (q * CA + j * 16 + lane) < cnta
        return acc + jnp.where(valid, e, 0.0)

    def tor_iter(j, acc):
        i0 = idx_v[pl.ds(IDX_T + j * 16, 16)]
        i1 = idx_v[pl.ds(IDX_T + CT + j * 16, 16)]
        i2 = idx_v[pl.ds(IDX_T + 2 * CT + j * 16, 16)]
        i3 = idx_v[pl.ds(IDX_T + 3 * CT + j * 16, 16)]
        it = idx_v[pl.ds(IDX_T + 4 * CT + j * 16, 16)]
        ax, ay, az = g3(i0)
        bx, by, bz = g3(i1)
        cx, cy, cz = g3(i2)
        dx, dy, dz = g3(i3)
        b1x, b1y, b1z = bx - ax, by - ay, bz - az
        b2x, b2y, b2z = cx - bx, cy - by, cz - bz
        b3x, b3y, b3z = dx - cx, dy - cy, dz - cz
        n1x = b1y * b2z - b1z * b2y
        n1y = b1z * b2x - b1x * b2z
        n1z = b1x * b2y - b1y * b2x
        n2x = b2y * b3z - b2z * b3y
        n2y = b2z * b3x - b2x * b3z
        n2z = b2x * b3y - b2y * b3x
        m1x = n1y * b2z - n1z * b2y
        m1y = n1z * b2x - n1x * b2z
        m1z = n1x * b2y - n1y * b2x
        x = n1x * n2x + n1y * n2y + n1z * n2z
        yp = m1x * n2x + m1y * n2y + m1z * n2z
        b2sq = b2x * b2x + b2y * b2y + b2z * b2z
        y = yp / (_sqrt(b2sq) + 1e-12)
        x2 = x + 1e-12
        rh = _rsqrt(x2 * x2 + y * y + 1e-30)
        cp = x2 * rh
        sp = y * rh
        c2 = 2.0 * cp * cp - 1.0
        s2 = 2.0 * sp * cp
        c3 = cp * (4.0 * cp * cp - 3.0)
        s3 = sp * (4.0 * cp * cp - 1.0)
        c4 = 2.0 * c2 * c2 - 1.0
        s4 = 2.0 * s2 * c2
        nm = gf(it + TBL_MU)
        cosn = jnp.where(nm == 1.0, cp, jnp.where(nm == 2.0, c2,
                         jnp.where(nm == 3.0, c3, c4)))
        sinn = jnp.where(nm == 1.0, sp, jnp.where(nm == 2.0, s2,
                         jnp.where(nm == 3.0, s3, s4)))
        it2 = 2 * it
        kt = gf(it2 + TBL_TT)
        cph = gf(it2 + TBL_TCS)
        sph = gf(it2 + (TBL_TCS + 1))
        e = kt * (1.0 + cosn * cph + sinn * sph)
        valid = (q * CT + j * 16 + lane) < cntt
        return acc + jnp.where(valid, e, 0.0)

    zero = jnp.zeros((16,), jnp.float32)
    acc_v[0, :] = plsc.parallel_loop(0, CB // 16, unroll=2,
                                     carry=zero)(bond_iter)
    acc_v[1, :] = plsc.parallel_loop(0, CA // 16, unroll=2,
                                     carry=zero)(ang_iter)
    acc_v[2, :] = plsc.parallel_loop(0, CT // 16, unroll=2,
                                     carry=zero)(tor_iter)
    pltpu.sync_copy(acc_v, e_hbm.at[:, m, pl.ds(q * 16, 16)])


_sc_call = pl.kernel(
    _sc_body,
    out_type=jax.ShapeDtypeStruct((3, B, NQ * 16), jnp.float32),
    mesh=plsc.VectorSubcoreMesh(core_axis_name="c", subcore_axis_name="s",
                                num_cores=2, num_subcores=16),
    scratch_types=[
        pltpu.VMEM((BLK_LEN,), jnp.int32),
        pltpu.VMEM((3, 16), jnp.float32),
        pltpu.SemaphoreType.DMA,
    ],
    compiler_params=pltpu.CompilerParams(use_tc_tiling_on_sc=False,
                                         needs_layout_passes=False),
)


def _tc_body(e_ref, out_ref):
    e0 = jnp.sum(e_ref[0], axis=1, keepdims=True)
    e1 = jnp.sum(e_ref[1], axis=1, keepdims=True)
    e2 = jnp.sum(e_ref[2], axis=1, keepdims=True)
    col = lax.broadcasted_iota(jnp.int32, (B, 3), 1)
    out_ref[...] = (jnp.where(col == 0, e0, 0.0)
                    + jnp.where(col == 1, e1, 0.0)
                    + jnp.where(col == 2, e2, 0.0))


_tc_call = pl.pallas_call(
    _tc_body,
    out_shape=jax.ShapeDtypeStruct((B, 3), jnp.float32),
)


@jax.jit
def kernel(features, lengths, bond_type, angle_type, tor_type, multiplicity,
           opt_pars):
    coords = features[:, :, 5]

    bonds = features[:, :4095, 6].astype(jnp.int32).reshape(B, 1365, 3)
    bidx = jnp.stack(
        [3 * bonds[:, :, 0], 3 * bonds[:, :, 1], bonds[:, :, 2]], axis=1)
    bidx = jnp.pad(bidx, ((0, 0), (0, 0), (0, NBP - 1365)))

    angs = features[:, :, 7].astype(jnp.int32).reshape(B, 1024, 4)
    aidx = jnp.stack(
        [3 * angs[:, :, 0], 3 * angs[:, :, 1], 3 * angs[:, :, 2],
         angs[:, :, 3]], axis=1)

    tors = features[:, :4095, 8].astype(jnp.int32).reshape(B, 819, 5)
    tidx = jnp.stack(
        [3 * tors[:, :, 0], 3 * tors[:, :, 1], 3 * tors[:, :, 2],
         3 * tors[:, :, 3], tors[:, :, 4]], axis=1)
    tidx = jnp.pad(tidx, ((0, 0), (0, 0), (0, NTP - 819)))

    phase = tor_type[:, 1]
    tcs = jnp.stack([jnp.cos(phase), jnp.sin(phase)], axis=1)
    tbl = jnp.concatenate([
        bond_type.reshape(-1), angle_type.reshape(-1), tor_type.reshape(-1),
        tcs.reshape(-1), multiplicity.astype(jnp.float32)])
    tbl_i = lax.bitcast_convert_type(tbl, jnp.int32)
    coords_i = lax.bitcast_convert_type(coords, jnp.int32)

    blk = jnp.concatenate([
        jnp.broadcast_to(coords_i[:, None, :], (B, NQ, 4096)),
        bidx.reshape(B, 3, NQ, CB).transpose(0, 2, 1, 3).reshape(B, NQ, -1),
        aidx.reshape(B, 4, NQ, CA).transpose(0, 2, 1, 3).reshape(B, NQ, -1),
        tidx.reshape(B, 5, NQ, CT).transpose(0, 2, 1, 3).reshape(B, NQ, -1),
        jnp.broadcast_to(tbl_i[None, None, :], (B, NQ, 181)),
        jnp.zeros((B, NQ, BLK_LEN - TBL0 - 181), jnp.int32),
    ], axis=2)

    parts = _sc_call(blk)
    return _tc_call(parts)

# --- scband reference (transcript-rebuilt; emitter-appended) ---
"""Pipeline reference for scband-local-energy-opt-90168543412914 (READ-ONLY COPY).

The authoritative reference and input builder live on the scoring server;
editing this copy changes nothing except your own understanding.
"""

import jax, jax.numpy as jnp
import numpy as np

B, MAX_LEN, NCOL = 8, 4096, 9
N_BOND_T, N_ANG_T, N_TOR_T, N_OPT = 15, 13, 25, 47


def _build_data():
    rng = np.random.RandomState(0)
    features = np.zeros((B, MAX_LEN, NCOL), dtype=np.float32)
    lengths = np.zeros((B, NCOL), dtype=np.int64)
    n_atoms_list = [800, 1000, 1200, 600, 1365, 900, 1100, 700]
    for i, n_atoms in enumerate(n_atoms_list):
        n_bonds = n_atoms
        n_angles = min(n_atoms, 1024)
        n_tors = min(n_atoms, 819)
        features[i, :n_atoms, 0] = rng.randint(0, 20, size=n_atoms).astype(np.float32)
        coords = (rng.randn(n_atoms * 3) * 2.0).astype(np.float32)
        features[i, :3 * n_atoms, 5] = coords
        base_b = rng.randint(0, n_atoms, n_bonds)
        bonds = np.stack([base_b, (base_b + 1) % n_atoms, rng.randint(0, N_BOND_T, n_bonds)], axis=1).astype(np.float32).reshape(-1)
        features[i, :3 * n_bonds, 6] = bonds
        base_a = rng.randint(0, n_atoms, n_angles)
        angles = np.stack([base_a, (base_a + 1) % n_atoms, (base_a + 2) % n_atoms, rng.randint(0, N_ANG_T, n_angles)], axis=1).astype(np.float32).reshape(-1)
        features[i, :4 * n_angles, 7] = angles
        base_t = rng.randint(0, n_atoms, n_tors)
        tors = np.stack([base_t, (base_t + 1) % n_atoms, (base_t + 2) % n_atoms, (base_t + 3) % n_atoms, rng.randint(0, N_TOR_T, n_tors)], axis=1).astype(np.float32).reshape(-1)
        features[i, :5 * n_tors, 8] = tors
        lengths[i] = [n_atoms, 0, 0, 0, 0, 3 * n_atoms, 3 * n_bonds, 4 * n_angles, 5 * n_tors]
    return features, lengths


def setup_inputs(seed=0) -> dict:
    key = jax.random.key(seed)
    k1, k2, k3, k4, k5 = jax.random.split(key, 5)
    features, lengths = _build_data()
    bond_type = jnp.abs(jax.random.normal(k1, (N_BOND_T, 2), dtype=jnp.float32)) * jnp.array([100.0, 1.5])
    angle_type = jnp.abs(jax.random.normal(k2, (N_ANG_T, 2), dtype=jnp.float32)) * jnp.array([50.0, 1.9])
    tor_type = jax.random.normal(k3, (N_TOR_T, 2), dtype=jnp.float32) * jnp.array([2.0, 3.14])
    multiplicity = jax.random.randint(k4, (N_TOR_T,), 1, 5, dtype=jnp.int64)
    opt_pars = jax.random.normal(k5, (N_OPT,), dtype=jnp.float32)
    return {"features": jnp.asarray(features), "lengths": jnp.asarray(lengths), "bond_type": bond_type, "angle_type": angle_type, "tor_type": tor_type, "multiplicity": multiplicity, "opt_pars": opt_pars}


def _bonds_energy(coords, bonds, bond_type):
    d = coords[bonds[:, 0]] - coords[bonds[:, 1]]
    r = jnp.sqrt(jnp.sum(d * d, axis=1) + 1e-12)
    kb = bond_type[bonds[:, 2], 0]
    r0 = bond_type[bonds[:, 2], 1]
    return jnp.sum(kb * (r - r0) ** 2)


def _angles_energy(atoms, coords, angles, angle_type):
    u = coords[angles[:, 0]] - coords[angles[:, 1]]
    v = coords[angles[:, 2]] - coords[angles[:, 1]]
    nu = jnp.sqrt(jnp.sum(u * u, axis=1) + 1e-12)
    nv = jnp.sqrt(jnp.sum(v * v, axis=1) + 1e-12)
    cosang = jnp.clip(jnp.sum(u * v, axis=1) / (nu * nv), -0.999999, 0.999999)
    theta = jnp.arccos(cosang)
    ka = angle_type[angles[:, 3], 0]
    t0 = angle_type[angles[:, 3], 1]
    return jnp.sum(ka * (theta - t0) ** 2)


def _torsions_energy(atoms, coords, tors, tor_type, multiplicity):
    b1 = coords[tors[:, 1]] - coords[tors[:, 0]]
    b2 = coords[tors[:, 2]] - coords[tors[:, 1]]
    b3 = coords[tors[:, 3]] - coords[tors[:, 2]]
    n1 = jnp.cross(b1, b2)
    n2 = jnp.cross(b2, b3)
    b2n = b2 / (jnp.sqrt(jnp.sum(b2 * b2, axis=1, keepdims=True)) + 1e-12)
    m1 = jnp.cross(n1, b2n)
    x = jnp.sum(n1 * n2, axis=1)
    y = jnp.sum(m1 * n2, axis=1)
    phi = jnp.arctan2(y, x + 1e-12)
    kt = tor_type[tors[:, 4], 0]
    phase = tor_type[tors[:, 4], 1]
    n = multiplicity[tors[:, 4]].astype(jnp.float32)
    return jnp.sum(kt * (1.0 + jnp.cos(n * phi - phase)))


def reference(features, lengths, bond_type, angle_type, tor_type, multiplicity, opt_pars):
    n_atoms_list = [800, 1000, 1200, 600, 1365, 900, 1100, 700]
    rows = []
    for i in range(features.shape[0]):
        n_atoms = n_atoms_list[i]
        n_bonds = n_atoms
        n_angles = min(n_atoms, 1024)
        n_tors = min(n_atoms, 819)
        atoms = features[i, :n_atoms, 0].astype(jnp.int32)
        coords = features[i, : 3 * n_atoms, 5].reshape(-1, 3)
        bonds = features[i, : 3 * n_bonds, 6].astype(jnp.int32).reshape(-1, 3)
        angles = features[i, : 4 * n_angles, 7].astype(jnp.int32).reshape(-1, 4)
        tors = features[i, : 5 * n_tors, 8].astype(jnp.int32).reshape(-1, 5)
        e0 = _bonds_energy(coords, bonds, bond_type)
        e1 = _angles_energy(atoms, coords, angles, angle_type)
        e2 = _torsions_energy(atoms, coords, tors, tor_type, multiplicity)
        rows.append(jnp.stack([e0, e1, e2]))
    energy = jnp.stack(rows, axis=0) + 0.0 * jnp.sum(opt_pars) + 0.0 * jnp.sum(lengths).astype(jnp.float32)
    return energy

if __name__ == "__main__":
    import jax
    _d = setup_inputs()
    print(jax.jit(kernel)(*tuple(_d.values())))

</pallas_src>

<mosaic_0001>
#map = affine_map<(d0, d1) -> (0, 0, 0)>
module attributes {stable_mosaic.version = 14 : i64} {
  func.func @_sc_body(%arg0: i32, %arg1: i32, %arg2: memref<8x4x7488xi32, #tpu.memory_space<hbm>>, %arg3: memref<3x8x64xf32, #tpu.memory_space<hbm>>, %arg4: memref<7488xi32, #tpu.memory_space<vmem>>, %arg5: memref<3x16xf32, #tpu.memory_space<vmem>>, %arg6: memref<!tpu.dma_semaphore, #tpu.memory_space<semaphore_mem>>) attributes {dimension_semantics = [#tpu.dimension_semantics<core_parallel>, #tpu.dimension_semantics<subcore_parallel>], iteration_bounds = array<i64: 2, 16>, scalar_prefetch = 0 : i64, scratch_operands = 3 : i64, tpu.core_type = #tpu.core_type<sc_vector_subcore>, window_params = [{transform_indices = #map}, {transform_indices = #map}]} {
    %mul3A = arith.constant 2 : i32
    %mul3A_0 = arith.muli %arg1, %mul3A : i32
    %add3A = arith.addi %mul3A_0, %arg0 : i32
    %jit3A = arith.constant 4 : i32
    %div3A = arith.divsi %add3A, %jit3A : i32
    %sign3A = arith.constant 0 : i32
    %sign3A_1 = arith.cmpi sgt, %add3A, %sign3A : i32
    %sign3A_2 = arith.extui %sign3A_1 : i1 to i32
    %sign3A_3 = arith.constant 0 : i32
    %sign3A_4 = arith.cmpi slt, %add3A, %sign3A_3 : i32
    %sign3A_5 = arith.extui %sign3A_4 : i1 to i32
    %sign3A_6 = arith.subi %sign3A_2, %sign3A_5 : i32
    %sign3A_7 = arith.constant 0 : i32
    %sign3A_8 = arith.cmpi sgt, %jit3A, %sign3A_7 : i32
    %sign3A_9 = arith.extui %sign3A_8 : i1 to i32
    %sign3A_10 = arith.constant 0 : i32
    %sign3A_11 = arith.cmpi slt, %jit3A, %sign3A_10 : i32
    %sign3A_12 = arith.extui %sign3A_11 : i1 to i32
    %sign3A_13 = arith.subi %sign3A_9, %sign3A_12 : i32
    %ne3A = arith.cmpi ne, %sign3A_6, %sign3A_13 : i32
    %rem3A = arith.remsi %add3A, %jit3A : i32
    %ne3A_14 = arith.constant 0 : i32
    %ne3A_15 = arith.cmpi ne, %rem3A, %ne3A_14 : i32
    %and3A = arith.andi %ne3A, %ne3A_15 : i1
    %sub3A = arith.constant 1 : i32
    %sub3A_16 = arith.subi %div3A, %sub3A : i32
    %select_n3A = arith.select %and3A, %sub3A_16, %div3A : i32
    %jit3A_17 = arith.constant 4 : i32
    %eq3A = arith.constant 0 : i32
    %eq3A_18 = arith.cmpi eq, %jit3A_17, %eq3A : i32
    %jit3A_19 = arith.constant 1 : i32
    %select_n3A_20 = arith.select %eq3A_18, %jit3A_19, %jit3A_17 : i32
    %rem3A_21 = arith.remsi %add3A, %select_n3A_20 : i32
    %ne3A_22 = arith.constant 0 : i32
    %ne3A_23 = arith.cmpi ne, %rem3A_21, %ne3A_22 : i32
    %lt3A = arith.constant 0 : i32
    %lt3A_24 = arith.cmpi slt, %rem3A_21, %lt3A : i32
    %lt3A_25 = arith.constant 0 : i32
    %lt3A_26 = arith.cmpi slt, %select_n3A_20, %lt3A_25 : i32
    %ne3A_27 = arith.xori %lt3A_24, %lt3A_26 : i1
    %and3A_28 = arith.andi %ne3A_27, %ne3A_23 : i1
    %add3A_29 = arith.addi %rem3A_21, %select_n3A_20 : i32
    %select_n3A_30 = arith.select %and3A_28, %add3A_29, %rem3A_21 : i32
    %dma_start3A = arith.constant 0 : i32
    %dma_start3A_31 = tpu.memref_slice %arg2[%select_n3A, %select_n3A_30, %dma_start3A] : memref<8x4x7488xi32, #tpu.memory_space<hbm>> -> memref<1x1x7488xi32, #tpu.memory_space<hbm>>
    %dma_start3A_32 = tpu.memref_squeeze %dma_start3A_31 : memref<1x1x7488xi32, #tpu.memory_space<hbm>> -> memref<7488xi32, #tpu.memory_space<hbm>>
    %dma_start3A_33 = arith.constant 0 : i32
    %dma_start3A_34 = tpu.memref_slice %arg2[%select_n3A, %select_n3A_30, %dma_start3A_33] : memref<8x4x7488xi32, #tpu.memory_space<hbm>> -> memref<1x1x7488xi32, #tpu.memory_space<hbm>>
    %dma_start3A_35 = tpu.memref_squeeze %dma_start3A_34 : memref<1x1x7488xi32, #tpu.memory_space<hbm>> -> memref<7488xi32, #tpu.memory_space<hbm>>
    tpu.enqueue_dma source(%dma_start3A_35 : memref<7488xi32, #tpu.memory_space<hbm>>) target(%arg4 : memref<7488xi32, #tpu.memory_space<vmem>>) target_semaphore(%arg6 : memref<!tpu.dma_semaphore, #tpu.memory_space<semaphore_mem>>)
    %dma_wait3A = arith.constant 0 : i32
    %dma_wait3A_36 = tpu.memref_slice %arg2[%select_n3A, %select_n3A_30, %dma_wait3A] : memref<8x4x7488xi32, #tpu.memory_space<hbm>> -> memref<1x1x7488xi32, #tpu.memory_space<hbm>>
    %dma_wait3A_37 = tpu.memref_squeeze %dma_wait3A_36 : memref<1x1x7488xi32, #tpu.memory_space<hbm>> -> memref<7488xi32, #tpu.memory_space<hbm>>
    %dma_wait3A_38 = arith.constant 0 : i32
    %dma_wait3A_39 = tpu.memref_slice %arg2[%select_n3A, %select_n3A_30, %dma_wait3A_38] : memref<8x4x7488xi32, #tpu.memory_space<hbm>> -> memref<1x1x7488xi32, #tpu.memory_space<hbm>>
    %dma_wait3A_40 = tpu.memref_squeeze %dma_wait3A_39 : memref<1x1x7488xi32, #tpu.memory_space<hbm>> -> memref<7488xi32, #tpu.memory_space<hbm>>
    tpu.wait_dma2 semaphore(%arg6 : memref<!tpu.dma_semaphore, #tpu.memory_space<semaphore_mem>>) src(%dma_wait3A_40 : memref<7488xi32, #tpu.memory_space<hbm>>) dst(%arg4 : memref<7488xi32, #tpu.memory_space<vmem>>)
    %iota3A = tpu.iota {dimensions = array<i32: 0>} : vector<16xi32>
    %eq3A_41 = arith.constant 1 : i32
    %eq3A_42 = arith.cmpi eq, %select_n3A, %eq3A_41 : i32
    %jit3A_43 = arith.constant 1000 : i32
    %jit3A_44 = arith.constant 800 : i32
    %select_n3A_45 = arith.select %eq3A_42, %jit3A_43, %jit3A_44 : i32
    %eq3A_46 = arith.constant 2 : i32
    %eq3A_47 = arith.cmpi eq, %select_n3A, %eq3A_46 : i32
    %jit3A_48 = arith.constant 1200 : i32
    %select_n3A_49 = arith.select %eq3A_47, %jit3A_48, %select_n3A_45 : i32
    %eq3A_50 = arith.constant 3 : i32
    %eq3A_51 = arith.cmpi eq, %select_n3A, %eq3A_50 : i32
    %jit3A_52 = arith.constant 600 : i32
    %select_n3A_53 = arith.select %eq3A_51, %jit3A_52, %select_n3A_49 : i32
    %eq3A_54 = arith.constant 4 : i32
    %eq3A_55 = arith.cmpi eq, %select_n3A, %eq3A_54 : i32
    %jit3A_56 = arith.constant 1365 : i32
    %select_n3A_57 = arith.select %eq3A_55, %jit3A_56, %select_n3A_53 : i32
    %eq3A_58 = arith.constant 5 : i32
    %eq3A_59 = arith.cmpi eq, %select_n3A, %eq3A_58 : i32
    %jit3A_60 = arith.constant 900 : i32
    %select_n3A_61 = arith.select %eq3A_59, %jit3A_60, %select_n3A_57 : i32
    %eq3A_62 = arith.constant 6 : i32
    %eq3A_63 = arith.cmpi eq, %select_n3A, %eq3A_62 : i32
    %jit3A_64 = arith.constant 1100 : i32
    %select_n3A_65 = arith.select %eq3A_63, %jit3A_64, %select_n3A_61 : i32
    %eq3A_66 = arith.constant 7 : i32
    %eq3A_67 = arith.cmpi eq, %select_n3A, %eq3A_66 : i32
    %jit3A_68 = arith.constant 700 : i32
    %select_n3A_69 = arith.select %eq3A_67, %jit3A_68, %select_n3A_65 : i32
    %eq3A_70 = arith.constant 1 : i32
    %eq3A_71 = arith.cmpi eq, %select_n3A, %eq3A_70 : i32
    %jit3A_72 = arith.constant 1000 : i32
    %jit3A_73 = arith.constant 800 : i32
    %select_n3A_74 = arith.select %eq3A_71, %jit3A_72, %jit3A_73 : i32
    %eq3A_75 = arith.constant 2 : i32
    %eq3A_76 = arith.cmpi eq, %select_n3A, %eq3A_75 : i32
    %jit3A_77 = arith.constant 1024 : i32
    %select_n3A_78 = arith.select %eq3A_76, %jit3A_77, %select_n3A_74 : i32
    %eq3A_79 = arith.constant 3 : i32
    %eq3A_80 = arith.cmpi eq, %select_n3A, %eq3A_79 : i32
    %jit3A_81 = arith.constant 600 : i32
    %select_n3A_82 = arith.select %eq3A_80, %jit3A_81, %select_n3A_78 : i32
    %eq3A_83 = arith.constant 4 : i32
    %eq3A_84 = arith.cmpi eq, %select_n3A, %eq3A_83 : i32
    %jit3A_85 = arith.constant 1024 : i32
    %select_n3A_86 = arith.select %eq3A_84, %jit3A_85, %select_n3A_82 : i32
    %eq3A_87 = arith.constant 5 : i32
    %eq3A_88 = arith.cmpi eq, %select_n3A, %eq3A_87 : i32
    %jit3A_89 = arith.constant 900 : i32
    %select_n3A_90 = arith.select %eq3A_88, %jit3A_89, %select_n3A_86 : i32
    %eq3A_91 = arith.constant 6 : i32
    %eq3A_92 = arith.cmpi eq, %select_n3A, %eq3A_91 : i32
    %jit3A_93 = arith.constant 1024 : i32
    %select_n3A_94 = arith.select %eq3A_92, %jit3A_93, %select_n3A_90 : i32
    %eq3A_95 = arith.constant 7 : i32
    %eq3A_96 = arith.cmpi eq, %select_n3A, %eq3A_95 : i32
    %jit3A_97 = arith.constant 700 : i32
    %select_n3A_98 = arith.select %eq3A_96, %jit3A_97, %select_n3A_94 : i32
    %eq3A_99 = arith.constant 1 : i32
    %eq3A_100 = arith.cmpi eq, %select_n3A, %eq3A_99 : i32
    %jit3A_101 = arith.constant 819 : i32
    %jit3A_102 = arith.constant 800 : i32
    %select_n3A_103 = arith.select %eq3A_100, %jit3A_101, %jit3A_102 : i32
    %eq3A_104 = arith.constant 2 : i32
    %eq3A_105 = arith.cmpi eq, %select_n3A, %eq3A_104 : i32
    %jit3A_106 = arith.constant 819 : i32
    %select_n3A_107 = arith.select %eq3A_105, %jit3A_106, %select_n3A_103 : i32
    %eq3A_108 = arith.constant 3 : i32
    %eq3A_109 = arith.cmpi eq, %select_n3A, %eq3A_108 : i32
    %jit3A_110 = arith.constant 600 : i32
    %select_n3A_111 = arith.select %eq3A_109, %jit3A_110, %select_n3A_107 : i32
    %eq3A_112 = arith.constant 4 : i32
    %eq3A_113 = arith.cmpi eq, %select_n3A, %eq3A_112 : i32
    %jit3A_114 = arith.constant 819 : i32
    %select_n3A_115 = arith.select %eq3A_113, %jit3A_114, %select_n3A_111 : i32
    %eq3A_116 = arith.constant 5 : i32
    %eq3A_117 = arith.cmpi eq, %select_n3A, %eq3A_116 : i32
    %jit3A_118 = arith.constant 819 : i32
    %select_n3A_119 = arith.select %eq3A_117, %jit3A_118, %select_n3A_115 : i32
    %eq3A_120 = arith.constant 6 : i32
    %eq3A_121 = arith.cmpi eq, %select_n3A, %eq3A_120 : i32
    %jit3A_122 = arith.constant 819 : i32
    %select_n3A_123 = arith.select %eq3A_121, %jit3A_122, %select_n3A_119 : i32
    %eq3A_124 = arith.constant 7 : i32
    %eq3A_125 = arith.cmpi eq, %select_n3A, %eq3A_124 : i32
    %jit3A_126 = arith.constant 700 : i32
    %select_n3A_127 = arith.select %eq3A_125, %jit3A_126, %select_n3A_123 : i32
    %broadcast_in_dim3A = arith.constant 0.000000e+00 : f32
    %broadcast_in_dim3A_128 = vector.broadcast %broadcast_in_dim3A : f32 to vector<16xf32>
    %parallel_loop3A = arith.constant 0 : i32
    %parallel_loop3A_129 = arith.constant 22 : i32
    %parallel_loop3A_130 = arith.constant 1 : i32
    %parallel_loop3A_131 = scf.for %parallel_loop3A_153 = %parallel_loop3A to %parallel_loop3A_129 step %parallel_loop3A_130 iter_args(%parallel_loop3A_154 = %broadcast_in_dim3A_128) -> (vector<16xf32>)  : i32 {
      %parallel_loop3A_155 = arith.constant 16 : i32
      %parallel_loop3A_156 = arith.muli %parallel_loop3A_153, %parallel_loop3A_155 : i32
      %parallel_loop3A_157 = arith.constant 4096 : i32
      %parallel_loop3A_158 = arith.addi %parallel_loop3A_157, %parallel_loop3A_156 : i32
      %parallel_loop3A_159 = arith.index_cast %parallel_loop3A_158 : i32 to index
      %parallel_loop3A_160 = tpu.vector_load %arg4[%parallel_loop3A_159] {strides = array<i32>} : memref<7488xi32, #tpu.memory_space<vmem>>, vector<16xi32>,
      %parallel_loop3A_161 = arith.constant 16 : i32
      %parallel_loop3A_162 = arith.muli %parallel_loop3A_153, %parallel_loop3A_161 : i32
      %parallel_loop3A_163 = arith.constant 4448 : i32
      %parallel_loop3A_164 = arith.addi %parallel_loop3A_163, %parallel_loop3A_162 : i32
      %parallel_loop3A_165 = arith.index_cast %parallel_loop3A_164 : i32 to index
      %parallel_loop3A_166 = tpu.vector_load %arg4[%parallel_loop3A_165] {strides = array<i32>} : memref<7488xi32, #tpu.memory_space<vmem>>, vector<16xi32>,
      %parallel_loop3A_167 = arith.constant 16 : i32
      %parallel_loop3A_168 = arith.muli %parallel_loop3A_153, %parallel_loop3A_167 : i32
      %parallel_loop3A_169 = arith.constant 4800 : i32
      %parallel_loop3A_170 = arith.addi %parallel_loop3A_169, %parallel_loop3A_168 : i32
      %parallel_loop3A_171 = arith.index_cast %parallel_loop3A_170 : i32 to index
      %parallel_loop3A_172 = tpu.vector_load %arg4[%parallel_loop3A_171] {strides = array<i32>} : memref<7488xi32, #tpu.memory_space<vmem>>, vector<16xi32>,
      %parallel_loop3A_173 = tpu.vector_load_idx %arg4[%parallel_loop3A_160] : memref<7488xi32, #tpu.memory_space<vmem>>[vector<16xi32>], vector<16xi32>,
      %parallel_loop3A_174 = vector.bitcast %parallel_loop3A_173 : vector<16xi32> to vector<16xf32>
      %parallel_loop3A_175 = arith.constant 1 : i32
      %parallel_loop3A_176 = vector.broadcast %parallel_loop3A_175 : i32 to vector<16xi32>
      %parallel_loop3A_177 = arith.addi %parallel_loop3A_160, %parallel_loop3A_176 : vector<16xi32>
      %parallel_loop3A_178 = tpu.vector_load_idx %arg4[%parallel_loop3A_177] : memref<7488xi32, #tpu.memory_space<vmem>>[vector<16xi32>], vector<16xi32>,
      %parallel_loop3A_179 = vector.bitcast %parallel_loop3A_178 : vector<16xi32> to vector<16xf32>
      %parallel_loop3A_180 = arith.constant 2 : i32
      %parallel_loop3A_181 = vector.broadcast %parallel_loop3A_180 : i32 to vector<16xi32>
      %parallel_loop3A_182 = arith.addi %parallel_loop3A_160, %parallel_loop3A_181 : vector<16xi32>
      %parallel_loop3A_183 = tpu.vector_load_idx %arg4[%parallel_loop3A_182] : memref<7488xi32, #tpu.memory_space<vmem>>[vector<16xi32>], vector<16xi32>,
      %parallel_loop3A_184 = vector.bitcast %parallel_loop3A_183 : vector<16xi32> to vector<16xf32>
      %parallel_loop3A_185 = tpu.vector_load_idx %arg4[%parallel_loop3A_166] : memref<7488xi32, #tpu.memory_space<vmem>>[vector<16xi32>], vector<16xi32>,
      %parallel_loop3A_186 = vector.bitcast %parallel_loop3A_185 : vector<16xi32> to vector<16xf32>
      %parallel_loop3A_187 = arith.constant 1 : i32
      %parallel_loop3A_188 = vector.broadcast %parallel_loop3A_187 : i32 to vector<16xi32>
      %parallel_loop3A_189 = arith.addi %parallel_loop3A_166, %parallel_loop3A_188 : vector<16xi32>
      %parallel_loop3A_190 = tpu.vector_load_idx %arg4[%parallel_loop3A_189] : memref<7488xi32, #tpu.memory_space<vmem>>[vector<16xi32>], vector<16xi32>,
      %parallel_loop3A_191 = vector.bitcast %parallel_loop3A_190 : vector<16xi32> to vector<16xf32>
      %parallel_loop3A_192 = arith.constant 2 : i32
      %parallel_loop3A_193 = vector.broadcast %parallel_loop3A_192 : i32 to vector<16xi32>
      %parallel_loop3A_194 = arith.addi %parallel_loop3A_166, %parallel_loop3A_193 : vector<16xi32>
      %parallel_loop3A_195 = tpu.vector_load_idx %arg4[%parallel_loop3A_194] : memref<7488xi32, #tpu.memory_space<vmem>>[vector<16xi32>], vector<16xi32>,
      %parallel_loop3A_196 = vector.bitcast %parallel_loop3A_195 : vector<16xi32> to vector<16xf32>
      %parallel_loop3A_197 = arith.subf %parallel_loop3A_174, %parallel_loop3A_186 : vector<16xf32>
      %parallel_loop3A_198 = arith.subf %parallel_loop3A_179, %parallel_loop3A_191 : vector<16xf32>
      %parallel_loop3A_199 = arith.subf %parallel_loop3A_184, %parallel_loop3A_196 : vector<16xf32>
      %parallel_loop3A_200 = arith.constant 2 : i32
      %parallel_loop3A_201 = vector.broadcast %parallel_loop3A_200 : i32 to vector<16xi32>
      %parallel_loop3A_202 = arith.muli %parallel_loop3A_201, %parallel_loop3A_172 : vector<16xi32>
      %parallel_loop3A_203 = arith.constant 7296 : i32
      %parallel_loop3A_204 = vector.broadcast %parallel_loop3A_203 : i32 to vector<16xi32>
      %parallel_loop3A_205 = arith.addi %parallel_loop3A_202, %parallel_loop3A_204 : vector<16xi32>
      %parallel_loop3A_206 = tpu.vector_load_idx %arg4[%parallel_loop3A_205] : memref<7488xi32, #tpu.memory_space<vmem>>[vector<16xi32>], vector<16xi32>,
      %parallel_loop3A_207 = vector.bitcast %parallel_loop3A_206 : vector<16xi32> to vector<16xf32>
      %parallel_loop3A_208 = arith.constant 7297 : i32
      %parallel_loop3A_209 = vector.broadcast %parallel_loop3A_208 : i32 to vector<16xi32>
      %parallel_loop3A_210 = arith.addi %parallel_loop3A_202, %parallel_loop3A_209 : vector<16xi32>
      %parallel_loop3A_211 = tpu.vector_load_idx %arg4[%parallel_loop3A_210] : memref<7488xi32, #tpu.memory_space<vmem>>[vector<16xi32>], vector<16xi32>,
      %parallel_loop3A_212 = vector.bitcast %parallel_loop3A_211 : vector<16xi32> to vector<16xf32>
      %parallel_loop3A_213 = arith.mulf %parallel_loop3A_197, %parallel_loop3A_197 : vector<16xf32>
      %parallel_loop3A_214 = arith.mulf %parallel_loop3A_198, %parallel_loop3A_198 : vector<16xf32>
      %parallel_loop3A_215 = arith.addf %parallel_loop3A_213, %parallel_loop3A_214 : vector<16xf32>
      %parallel_loop3A_216 = arith.mulf %parallel_loop3A_199, %parallel_loop3A_199 : vector<16xf32>
      %parallel_loop3A_217 = arith.addf %parallel_loop3A_215, %parallel_loop3A_216 : vector<16xf32>
      %parallel_loop3A_218 = arith.constant 9.99999996E-13 : f32
      %parallel_loop3A_219 = vector.broadcast %parallel_loop3A_218 : f32 to vector<16xf32>
      %parallel_loop3A_220 = arith.addf %parallel_loop3A_217, %parallel_loop3A_219 : vector<16xf32>
      %parallel_loop3A_221 = vector.bitcast %parallel_loop3A_220 : vector<16xf32> to vector<16xi32>
      %parallel_loop3A_222 = arith.constant 1 : i32
      %parallel_loop3A_223 = vector.broadcast %parallel_loop3A_222 : i32 to vector<16xi32>
      %parallel_loop3A_224 = arith.shrsi %parallel_loop3A_221, %parallel_loop3A_223 : vector<16xi32>
      %parallel_loop3A_225 = arith.constant 1597463007 : i32
      %parallel_loop3A_226 = vector.broadcast %parallel_loop3A_225 : i32 to vector<16xi32>
      %parallel_loop3A_227 = arith.subi %parallel_loop3A_226, %parallel_loop3A_224 : vector<16xi32>
      %parallel_loop3A_228 = vector.bitcast %parallel_loop3A_227 : vector<16xi32> to vector<16xf32>
      %parallel_loop3A_229 = arith.constant 5.000000e-01 : f32
      %parallel_loop3A_230 = vector.broadcast %parallel_loop3A_229 : f32 to vector<16xf32>
      %parallel_loop3A_231 = arith.mulf %parallel_loop3A_230, %parallel_loop3A_220 : vector<16xf32>
      %parallel_loop3A_232 = arith.mulf %parallel_loop3A_231, %parallel_loop3A_228 : vector<16xf32>
      %parallel_loop3A_233 = arith.mulf %parallel_loop3A_232, %parallel_loop3A_228 : vector<16xf32>
      %parallel_loop3A_234 = arith.constant 1.500000e+00 : f32
      %parallel_loop3A_235 = vector.broadcast %parallel_loop3A_234 : f32 to vector<16xf32>
      %parallel_loop3A_236 = arith.subf %parallel_loop3A_235, %parallel_loop3A_233 : vector<16xf32>
      %parallel_loop3A_237 = arith.mulf %parallel_loop3A_228, %parallel_loop3A_236 : vector<16xf32>
      %parallel_loop3A_238 = arith.constant 5.000000e-01 : f32
      %parallel_loop3A_239 = vector.broadcast %parallel_loop3A_238 : f32 to vector<16xf32>
      %parallel_loop3A_240 = arith.mulf %parallel_loop3A_239, %parallel_loop3A_220 : vector<16xf32>
      %parallel_loop3A_241 = arith.mulf %parallel_loop3A_240, %parallel_loop3A_237 : vector<16xf32>
      %parallel_loop3A_242 = arith.mulf %parallel_loop3A_241, %parallel_loop3A_237 : vector<16xf32>
      %parallel_loop3A_243 = arith.constant 1.500000e+00 : f32
      %parallel_loop3A_244 = vector.broadcast %parallel_loop3A_243 : f32 to vector<16xf32>
      %parallel_loop3A_245 = arith.subf %parallel_loop3A_244, %parallel_loop3A_242 : vector<16xf32>
      %parallel_loop3A_246 = arith.mulf %parallel_loop3A_237, %parallel_loop3A_245 : vector<16xf32>
      %parallel_loop3A_247 = arith.constant 5.000000e-01 : f32
      %parallel_loop3A_248 = vector.broadcast %parallel_loop3A_247 : f32 to vector<16xf32>
      %parallel_loop3A_249 = arith.mulf %parallel_loop3A_248, %parallel_loop3A_220 : vector<16xf32>
      %parallel_loop3A_250 = arith.mulf %parallel_loop3A_249, %parallel_loop3A_246 : vector<16xf32>
      %parallel_loop3A_251 = arith.mulf %parallel_loop3A_250, %parallel_loop3A_246 : vector<16xf32>
      %parallel_loop3A_252 = arith.constant 1.500000e+00 : f32
      %parallel_loop3A_253 = vector.broadcast %parallel_loop3A_252 : f32 to vector<16xf32>
      %parallel_loop3A_254 = arith.subf %parallel_loop3A_253, %parallel_loop3A_251 : vector<16xf32>
      %parallel_loop3A_255 = arith.mulf %parallel_loop3A_246, %parallel_loop3A_254 : vector<16xf32>
      %parallel_loop3A_256 = arith.mulf %parallel_loop3A_220, %parallel_loop3A_255 : vector<16xf32>
      %parallel_loop3A_257 = arith.subf %parallel_loop3A_256, %parallel_loop3A_212 : vector<16xf32>
      %parallel_loop3A_258 = arith.mulf %parallel_loop3A_207, %parallel_loop3A_257 : vector<16xf32>
      %parallel_loop3A_259 = arith.subf %parallel_loop3A_256, %parallel_loop3A_212 : vector<16xf32>
      %parallel_loop3A_260 = arith.mulf %parallel_loop3A_258, %parallel_loop3A_259 : vector<16xf32>
      %parallel_loop3A_261 = arith.constant 352 : i32
      %parallel_loop3A_262 = arith.muli %select_n3A_30, %parallel_loop3A_261 : i32
      %parallel_loop3A_263 = arith.constant 16 : i32
      %parallel_loop3A_264 = arith.muli %parallel_loop3A_153, %parallel_loop3A_263 : i32
      %parallel_loop3A_265 = arith.addi %parallel_loop3A_262, %parallel_loop3A_264 : i32
      %parallel_loop3A_266 = vector.broadcast %parallel_loop3A_265 : i32 to vector<16xi32>
      %parallel_loop3A_267 = arith.addi %parallel_loop3A_266, %iota3A : vector<16xi32>
      %parallel_loop3A_268 = vector.broadcast %select_n3A_69 : i32 to vector<16xi32>
      %parallel_loop3A_269 = arith.cmpi slt, %parallel_loop3A_267, %parallel_loop3A_268 : vector<16xi32>
      %parallel_loop3A_270 = arith.constant 0.000000e+00 : f32
      %parallel_loop3A_271 = vector.broadcast %parallel_loop3A_270 : f32 to vector<16xf32>
      %parallel_loop3A_272 = arith.select %parallel_loop3A_269, %parallel_loop3A_260, %parallel_loop3A_271 : vector<16xi1>, vector<16xf32>
      %parallel_loop3A_273 = arith.addf %parallel_loop3A_154, %parallel_loop3A_272 : vector<16xf32>
      scf.yield %parallel_loop3A_273 : vector<16xf32>
    } {sc.loop_unroll_factor = 2 : i64, sc.parallel_access}
    %swap3A = arith.constant 0 : i32
    %swap3A_132 = arith.index_cast %swap3A : i32 to index
    %swap3A_133 = arith.constant 0 : index
    %swap3A_134 = tpu.vector_load %arg5[%swap3A_132, %swap3A_133] {strides = array<i32>} : memref<3x16xf32, #tpu.memory_space<vmem>>, vector<16xf32>,
    tpu.vector_store %arg5[%swap3A_132, %swap3A_133], %parallel_loop3A_131 {strides = array<i32>} : memref<3x16xf32, #tpu.memory_space<vmem>>, vector<16xf32>,
    %parallel_loop3A_135 = arith.constant 0 : i32
    %parallel_loop3A_136 = arith.constant 16 : i32
    %parallel_loop3A_137 = arith.constant 1 : i32
    %parallel_loop3A_138 = scf.for %parallel_loop3A_153 = %parallel_loop3A_135 to %parallel_loop3A_136 step %parallel_loop3A_137 iter_args(%parallel_loop3A_154 = %broadcast_in_dim3A_128) -> (vector<16xf32>)  : i32 {
      %parallel_loop3A_155 = arith.constant 16 : i32
      %parallel_loop3A_156 = arith.muli %parallel_loop3A_153, %parallel_loop3A_155 : i32
      %parallel_loop3A_157 = arith.constant 5152 : i32
      %parallel_loop3A_158 = arith.addi %parallel_loop3A_157, %parallel_loop3A_156 : i32
      %parallel_loop3A_159 = arith.index_cast %parallel_loop3A_158 : i32 to index
      %parallel_loop3A_160 = tpu.vector_load %arg4[%parallel_loop3A_159] {strides = array<i32>} : memref<7488xi32, #tpu.memory_space<vmem>>, vector<16xi32>,
      %parallel_loop3A_161 = arith.constant 16 : i32
      %parallel_loop3A_162 = arith.muli %parallel_loop3A_153, %parallel_loop3A_161 : i32
      %parallel_loop3A_163 = arith.constant 5408 : i32
      %parallel_loop3A_164 = arith.addi %parallel_loop3A_163, %parallel_loop3A_162 : i32
      %parallel_loop3A_165 = arith.index_cast %parallel_loop3A_164 : i32 to index
      %parallel_loop3A_166 = tpu.vector_load %arg4[%parallel_loop3A_165] {strides = array<i32>} : memref<7488xi32, #tpu.memory_space<vmem>>, vector<16xi32>,
      %parallel_loop3A_167 = arith.constant 16 : i32
      %parallel_loop3A_168 = arith.muli %parallel_loop3A_153, %parallel_loop3A_167 : i32
      %parallel_loop3A_169 = arith.constant 5664 : i32
      %parallel_loop3A_170 = arith.addi %parallel_loop3A_169, %parallel_loop3A_168 : i32
      %parallel_loop3A_171 = arith.index_cast %parallel_loop3A_170 : i32 to index
      %parallel_loop3A_172 = tpu.vector_load %arg4[%parallel_loop3A_171] {strides = array<i32>} : memref<7488xi32, #tpu.memory_space<vmem>>, vector<16xi32>,
      %parallel_loop3A_173 = arith.constant 16 : i32
      %parallel_loop3A_174 = arith.muli %parallel_loop3A_153, %parallel_loop3A_173 : i32
      %parallel_loop3A_175 = arith.constant 5920 : i32
      %parallel_loop3A_176 = arith.addi %parallel_loop3A_175, %parallel_loop3A_174 : i32
      %parallel_loop3A_177 = arith.index_cast %parallel_loop3A_176 : i32 to index
      %parallel_loop3A_178 = tpu.vector_load %arg4[%parallel_loop3A_177] {strides = array<i32>} : memref<7488xi32, #tpu.memory_space<vmem>>, vector<16xi32>,
      %parallel_loop3A_179 = tpu.vector_load_idx %arg4[%parallel_loop3A_160] : memref<7488xi32, #tpu.memory_space<vmem>>[vector<16xi32>], vector<16xi32>,
      %parallel_loop3A_180 = vector.bitcast %parallel_loop3A_179 : vector<16xi32> to vector<16xf32>
      %parallel_loop3A_181 = arith.constant 1 : i32
      %parallel_loop3A_182 = vector.broadcast %parallel_loop3A_181 : i32 to vector<16xi32>
      %parallel_loop3A_183 = arith.addi %parallel_loop3A_160, %parallel_loop3A_182 : vector<16xi32>
      %parallel_loop3A_184 = tpu.vector_load_idx %arg4[%parallel_loop3A_183] : memref<7488xi32, #tpu.memory_space<vmem>>[vector<16xi32>], vector<16xi32>,
      %parallel_loop3A_185 = vector.bitcast %parallel_loop3A_184 : vector<16xi32> to vector<16xf32>
      %parallel_loop3A_186 = arith.constant 2 : i32
      %parallel_loop3A_187 = vector.broadcast %parallel_loop3A_186 : i32 to vector<16xi32>
      %parallel_loop3A_188 = arith.addi %parallel_loop3A_160, %parallel_loop3A_187 : vector<16xi32>
      %parallel_loop3A_189 = tpu.vector_load_idx %arg4[%parallel_loop3A_188] : memref<7488xi32, #tpu.memory_space<vmem>>[vector<16xi32>], vector<16xi32>,
      %parallel_loop3A_190 = vector.bitcast %parallel_loop3A_189 : vector<16xi32> to vector<16xf32>
      %parallel_loop3A_191 = tpu.vector_load_idx %arg4[%parallel_loop3A_166] : memref<7488xi32, #tpu.memory_space<vmem>>[vector<16xi32>], vector<16xi32>,
      %parallel_loop3A_192 = vector.bitcast %parallel_loop3A_191 : vector<16xi32> to vector<16xf32>
      %parallel_loop3A_193 = arith.constant 1 : i32
      %parallel_loop3A_194 = vector.broadcast %parallel_loop3A_193 : i32 to vector<16xi32>
      %parallel_loop3A_195 = arith.addi %parallel_loop3A_166, %parallel_loop3A_194 : vector<16xi32>
      %parallel_loop3A_196 = tpu.vector_load_idx %arg4[%parallel_loop3A_195] : memref<7488xi32, #tpu.memory_space<vmem>>[vector<16xi32>], vector<16xi32>,
      %parallel_loop3A_197 = vector.bitcast %parallel_loop3A_196 : vector<16xi32> to vector<16xf32>
      %parallel_loop3A_198 = arith.constant 2 : i32
      %parallel_loop3A_199 = vector.broadcast %parallel_loop3A_198 : i32 to vector<16xi32>
      %parallel_loop3A_200 = arith.addi %parallel_loop3A_166, %parallel_loop3A_199 : vector<16xi32>
      %parallel_loop3A_201 = tpu.vector_load_idx %arg4[%parallel_loop3A_200] : memref<7488xi32, #tpu.memory_space<vmem>>[vector<16xi32>], vector<16xi32>,
      %parallel_loop3A_202 = vector.bitcast %parallel_loop3A_201 : vector<16xi32> to vector<16xf32>
      %parallel_loop3A_203 = tpu.vector_load_idx %arg4[%parallel_loop3A_172] : memref<7488xi32, #tpu.memory_space<vmem>>[vector<16xi32>], vector<16xi32>,
      %parallel_loop3A_204 = vector.bitcast %parallel_loop3A_203 : vector<16xi32> to vector<16xf32>
      %parallel_loop3A_205 = arith.constant 1 : i32
      %parallel_loop3A_206 = vector.broadcast %parallel_loop3A_205 : i32 to vector<16xi32>
      %parallel_loop3A_207 = arith.addi %parallel_loop3A_172, %parallel_loop3A_206 : vector<16xi32>
      %parallel_loop3A_208 = tpu.vector_load_idx %arg4[%parallel_loop3A_207] : memref<7488xi32, #tpu.memory_space<vmem>>[vector<16xi32>], vector<16xi32>,
      %parallel_loop3A_209 = vector.bitcast %parallel_loop3A_208 : vector<16xi32> to vector<16xf32>
      %parallel_loop3A_210 = arith.constant 2 : i32
      %parallel_loop3A_211 = vector.broadcast %parallel_loop3A_210 : i32 to vector<16xi32>
      %parallel_loop3A_212 = arith.addi %parallel_loop3A_172, %parallel_loop3A_211 : vector<16xi32>
      %parallel_loop3A_213 = tpu.vector_load_idx %arg4[%parallel_loop3A_212] : memref<7488xi32, #tpu.memory_space<vmem>>[vector<16xi32>], vector<16xi32>,
      %parallel_loop3A_214 = vector.bitcast %parallel_loop3A_213 : vector<16xi32> to vector<16xf32>
      %parallel_loop3A_215 = arith.subf %parallel_loop3A_180, %parallel_loop3A_192 : vector<16xf32>
      %parallel_loop3A_216 = arith.subf %parallel_loop3A_185, %parallel_loop3A_197 : vector<16xf32>
      %parallel_loop3A_217 = arith.subf %parallel_loop3A_190, %parallel_loop3A_202 : vector<16xf32>
      %parallel_loop3A_218 = arith.subf %parallel_loop3A_204, %parallel_loop3A_192 : vector<16xf32>
      %parallel_loop3A_219 = arith.subf %parallel_loop3A_209, %parallel_loop3A_197 : vector<16xf32>
      %parallel_loop3A_220 = arith.subf %parallel_loop3A_214, %parallel_loop3A_202 : vector<16xf32>
      %parallel_loop3A_221 = arith.mulf %parallel_loop3A_215, %parallel_loop3A_215 : vector<16xf32>
      %parallel_loop3A_222 = arith.mulf %parallel_loop3A_216, %parallel_loop3A_216 : vector<16xf32>
      %parallel_loop3A_223 = arith.addf %parallel_loop3A_221, %parallel_loop3A_222 : vector<16xf32>
      %parallel_loop3A_224 = arith.mulf %parallel_loop3A_217, %parallel_loop3A_217 : vector<16xf32>
      %parallel_loop3A_225 = arith.addf %parallel_loop3A_223, %parallel_loop3A_224 : vector<16xf32>
      %parallel_loop3A_226 = arith.constant 9.99999996E-13 : f32
      %parallel_loop3A_227 = vector.broadcast %parallel_loop3A_226 : f32 to vector<16xf32>
      %parallel_loop3A_228 = arith.addf %parallel_loop3A_225, %parallel_loop3A_227 : vector<16xf32>
      %parallel_loop3A_229 = arith.mulf %parallel_loop3A_218, %parallel_loop3A_218 : vector<16xf32>
      %parallel_loop3A_230 = arith.mulf %parallel_loop3A_219, %parallel_loop3A_219 : vector<16xf32>
      %parallel_loop3A_231 = arith.addf %parallel_loop3A_229, %parallel_loop3A_230 : vector<16xf32>
      %parallel_loop3A_232 = arith.mulf %parallel_loop3A_220, %parallel_loop3A_220 : vector<16xf32>
      %parallel_loop3A_233 = arith.addf %parallel_loop3A_231, %parallel_loop3A_232 : vector<16xf32>
      %parallel_loop3A_234 = arith.constant 9.99999996E-13 : f32
      %parallel_loop3A_235 = vector.broadcast %parallel_loop3A_234 : f32 to vector<16xf32>
      %parallel_loop3A_236 = arith.addf %parallel_loop3A_233, %parallel_loop3A_235 : vector<16xf32>
      %parallel_loop3A_237 = arith.mulf %parallel_loop3A_215, %parallel_loop3A_218 : vector<16xf32>
      %parallel_loop3A_238 = arith.mulf %parallel_loop3A_216, %parallel_loop3A_219 : vector<16xf32>
      %parallel_loop3A_239 = arith.addf %parallel_loop3A_237, %parallel_loop3A_238 : vector<16xf32>
      %parallel_loop3A_240 = arith.mulf %parallel_loop3A_217, %parallel_loop3A_220 : vector<16xf32>
      %parallel_loop3A_241 = arith.addf %parallel_loop3A_239, %parallel_loop3A_240 : vector<16xf32>
      %parallel_loop3A_242 = arith.constant 2 : i32
      %parallel_loop3A_243 = vector.broadcast %parallel_loop3A_242 : i32 to vector<16xi32>
      %parallel_loop3A_244 = arith.muli %parallel_loop3A_243, %parallel_loop3A_178 : vector<16xi32>
      %parallel_loop3A_245 = arith.constant 7326 : i32
      %parallel_loop3A_246 = vector.broadcast %parallel_loop3A_245 : i32 to vector<16xi32>
      %parallel_loop3A_247 = arith.addi %parallel_loop3A_244, %parallel_loop3A_246 : vector<16xi32>
      %parallel_loop3A_248 = tpu.vector_load_idx %arg4[%parallel_loop3A_247] : memref<7488xi32, #tpu.memory_space<vmem>>[vector<16xi32>], vector<16xi32>,
      %parallel_loop3A_249 = vector.bitcast %parallel_loop3A_248 : vector<16xi32> to vector<16xf32>
      %parallel_loop3A_250 = arith.constant 7327 : i32
      %parallel_loop3A_251 = vector.broadcast %parallel_loop3A_250 : i32 to vector<16xi32>
      %parallel_loop3A_252 = arith.addi %parallel_loop3A_244, %parallel_loop3A_251 : vector<16xi32>
      %parallel_loop3A_253 = tpu.vector_load_idx %arg4[%parallel_loop3A_252] : memref<7488xi32, #tpu.memory_space<vmem>>[vector<16xi32>], vector<16xi32>,
      %parallel_loop3A_254 = vector.bitcast %parallel_loop3A_253 : vector<16xi32> to vector<16xf32>
      %parallel_loop3A_255 = vector.bitcast %parallel_loop3A_228 : vector<16xf32> to vector<16xi32>
      %parallel_loop3A_256 = arith.constant 1 : i32
      %parallel_loop3A_257 = vector.broadcast %parallel_loop3A_256 : i32 to vector<16xi32>
      %parallel_loop3A_258 = arith.shrsi %parallel_loop3A_255, %parallel_loop3A_257 : vector<16xi32>
      %parallel_loop3A_259 = arith.constant 1597463007 : i32
      %parallel_loop3A_260 = vector.broadcast %parallel_loop3A_259 : i32 to vector<16xi32>
      %parallel_loop3A_261 = arith.subi %parallel_loop3A_260, %parallel_loop3A_258 : vector<16xi32>
      %parallel_loop3A_262 = vector.bitcast %parallel_loop3A_261 : vector<16xi32> to vector<16xf32>
      %parallel_loop3A_263 = arith.constant 5.000000e-01 : f32
      %parallel_loop3A_264 = vector.broadcast %parallel_loop3A_263 : f32 to vector<16xf32>
      %parallel_loop3A_265 = arith.mulf %parallel_loop3A_264, %parallel_loop3A_228 : vector<16xf32>
      %parallel_loop3A_266 = arith.mulf %parallel_loop3A_265, %parallel_loop3A_262 : vector<16xf32>
      %parallel_loop3A_267 = arith.mulf %parallel_loop3A_266, %parallel_loop3A_262 : vector<16xf32>
      %parallel_loop3A_268 = arith.constant 1.500000e+00 : f32
      %parallel_loop3A_269 = vector.broadcast %parallel_loop3A_268 : f32 to vector<16xf32>
      %parallel_loop3A_270 = arith.subf %parallel_loop3A_269, %parallel_loop3A_267 : vector<16xf32>
      %parallel_loop3A_271 = arith.mulf %parallel_loop3A_262, %parallel_loop3A_270 : vector<16xf32>
      %parallel_loop3A_272 = arith.constant 5.000000e-01 : f32
      %parallel_loop3A_273 = vector.broadcast %parallel_loop3A_272 : f32 to vector<16xf32>
      %parallel_loop3A_274 = arith.mulf %parallel_loop3A_273, %parallel_loop3A_228 : vector<16xf32>
      %parallel_loop3A_275 = arith.mulf %parallel_loop3A_274, %parallel_loop3A_271 : vector<16xf32>
      %parallel_loop3A_276 = arith.mulf %parallel_loop3A_275, %parallel_loop3A_271 : vector<16xf32>
      %parallel_loop3A_277 = arith.constant 1.500000e+00 : f32
      %parallel_loop3A_278 = vector.broadcast %parallel_loop3A_277 : f32 to vector<16xf32>
      %parallel_loop3A_279 = arith.subf %parallel_loop3A_278, %parallel_loop3A_276 : vector<16xf32>
      %parallel_loop3A_280 = arith.mulf %parallel_loop3A_271, %parallel_loop3A_279 : vector<16xf32>
      %parallel_loop3A_281 = arith.constant 5.000000e-01 : f32
      %parallel_loop3A_282 = vector.broadcast %parallel_loop3A_281 : f32 to vector<16xf32>
      %parallel_loop3A_283 = arith.mulf %parallel_loop3A_282, %parallel_loop3A_228 : vector<16xf32>
      %parallel_loop3A_284 = arith.mulf %parallel_loop3A_283, %parallel_loop3A_280 : vector<16xf32>
      %parallel_loop3A_285 = arith.mulf %parallel_loop3A_284, %parallel_loop3A_280 : vector<16xf32>
      %parallel_loop3A_286 = arith.constant 1.500000e+00 : f32
      %parallel_loop3A_287 = vector.broadcast %parallel_loop3A_286 : f32 to vector<16xf32>
      %parallel_loop3A_288 = arith.subf %parallel_loop3A_287, %parallel_loop3A_285 : vector<16xf32>
      %parallel_loop3A_289 = arith.mulf %parallel_loop3A_280, %parallel_loop3A_288 : vector<16xf32>
      %parallel_loop3A_290 = arith.mulf %parallel_loop3A_241, %parallel_loop3A_289 : vector<16xf32>
      %parallel_loop3A_291 = vector.bitcast %parallel_loop3A_236 : vector<16xf32> to vector<16xi32>
      %parallel_loop3A_292 = arith.constant 1 : i32
      %parallel_loop3A_293 = vector.broadcast %parallel_loop3A_292 : i32 to vector<16xi32>
      %parallel_loop3A_294 = arith.shrsi %parallel_loop3A_291, %parallel_loop3A_293 : vector<16xi32>
      %parallel_loop3A_295 = arith.constant 1597463007 : i32
      %parallel_loop3A_296 = vector.broadcast %parallel_loop3A_295 : i32 to vector<16xi32>
      %parallel_loop3A_297 = arith.subi %parallel_loop3A_296, %parallel_loop3A_294 : vector<16xi32>
      %parallel_loop3A_298 = vector.bitcast %parallel_loop3A_297 : vector<16xi32> to vector<16xf32>
      %parallel_loop3A_299 = arith.constant 5.000000e-01 : f32
      %parallel_loop3A_300 = vector.broadcast %parallel_loop3A_299 : f32 to vector<16xf32>
      %parallel_loop3A_301 = arith.mulf %parallel_loop3A_300, %parallel_loop3A_236 : vector<16xf32>
      %parallel_loop3A_302 = arith.mulf %parallel_loop3A_301, %parallel_loop3A_298 : vector<16xf32>
      %parallel_loop3A_303 = arith.mulf %parallel_loop3A_302, %parallel_loop3A_298 : vector<16xf32>
      %parallel_loop3A_304 = arith.constant 1.500000e+00 : f32
      %parallel_loop3A_305 = vector.broadcast %parallel_loop3A_304 : f32 to vector<16xf32>
      %parallel_loop3A_306 = arith.subf %parallel_loop3A_305, %parallel_loop3A_303 : vector<16xf32>
      %parallel_loop3A_307 = arith.mulf %parallel_loop3A_298, %parallel_loop3A_306 : vector<16xf32>
      %parallel_loop3A_308 = arith.constant 5.000000e-01 : f32
      %parallel_loop3A_309 = vector.broadcast %parallel_loop3A_308 : f32 to vector<16xf32>
      %parallel_loop3A_310 = arith.mulf %parallel_loop3A_309, %parallel_loop3A_236 : vector<16xf32>
      %parallel_loop3A_311 = arith.mulf %parallel_loop3A_310, %parallel_loop3A_307 : vector<16xf32>
      %parallel_loop3A_312 = arith.mulf %parallel_loop3A_311, %parallel_loop3A_307 : vector<16xf32>
      %parallel_loop3A_313 = arith.constant 1.500000e+00 : f32
      %parallel_loop3A_314 = vector.broadcast %parallel_loop3A_313 : f32 to vector<16xf32>
      %parallel_loop3A_315 = arith.subf %parallel_loop3A_314, %parallel_loop3A_312 : vector<16xf32>
      %parallel_loop3A_316 = arith.mulf %parallel_loop3A_307, %parallel_loop3A_315 : vector<16xf32>
      %parallel_loop3A_317 = arith.constant 5.000000e-01 : f32
      %parallel_loop3A_318 = vector.broadcast %parallel_loop3A_317 : f32 to vector<16xf32>
      %parallel_loop3A_319 = arith.mulf %parallel_loop3A_318, %parallel_loop3A_236 : vector<16xf32>
      %parallel_loop3A_320 = arith.mulf %parallel_loop3A_319, %parallel_loop3A_316 : vector<16xf32>
      %parallel_loop3A_321 = arith.mulf %parallel_loop3A_320, %parallel_loop3A_316 : vector<16xf32>
      %parallel_loop3A_322 = arith.constant 1.500000e+00 : f32
      %parallel_loop3A_323 = vector.broadcast %parallel_loop3A_322 : f32 to vector<16xf32>
      %parallel_loop3A_324 = arith.subf %parallel_loop3A_323, %parallel_loop3A_321 : vector<16xf32>
      %parallel_loop3A_325 = arith.mulf %parallel_loop3A_316, %parallel_loop3A_324 : vector<16xf32>
      %parallel_loop3A_326 = arith.mulf %parallel_loop3A_290, %parallel_loop3A_325 : vector<16xf32>
      %parallel_loop3A_327 = arith.constant -0.999998986 : f32
      %parallel_loop3A_328 = arith.constant 0.999998986 : f32
      %parallel_loop3A_329 = vector.broadcast %parallel_loop3A_327 : f32 to vector<16xf32>
      %parallel_loop3A_330 = arith.maximumf %parallel_loop3A_329, %parallel_loop3A_326 : vector<16xf32>
      %parallel_loop3A_331 = vector.broadcast %parallel_loop3A_328 : f32 to vector<16xf32>
      %parallel_loop3A_332 = arith.minimumf %parallel_loop3A_331, %parallel_loop3A_330 : vector<16xf32>
      %parallel_loop3A_333 = arith.mulf %parallel_loop3A_332, %parallel_loop3A_332 : vector<16xf32>
      %parallel_loop3A_334 = arith.constant 1.000000e+00 : f32
      %parallel_loop3A_335 = vector.broadcast %parallel_loop3A_334 : f32 to vector<16xf32>
      %parallel_loop3A_336 = arith.subf %parallel_loop3A_335, %parallel_loop3A_333 : vector<16xf32>
      %parallel_loop3A_337 = vector.bitcast %parallel_loop3A_336 : vector<16xf32> to vector<16xi32>
      %parallel_loop3A_338 = arith.constant 1 : i32
      %parallel_loop3A_339 = vector.broadcast %parallel_loop3A_338 : i32 to vector<16xi32>
      %parallel_loop3A_340 = arith.shrsi %parallel_loop3A_337, %parallel_loop3A_339 : vector<16xi32>
      %parallel_loop3A_341 = arith.constant 1597463007 : i32
      %parallel_loop3A_342 = vector.broadcast %parallel_loop3A_341 : i32 to vector<16xi32>
      %parallel_loop3A_343 = arith.subi %parallel_loop3A_342, %parallel_loop3A_340 : vector<16xi32>
      %parallel_loop3A_344 = vector.bitcast %parallel_loop3A_343 : vector<16xi32> to vector<16xf32>
      %parallel_loop3A_345 = arith.constant 5.000000e-01 : f32
      %parallel_loop3A_346 = vector.broadcast %parallel_loop3A_345 : f32 to vector<16xf32>
      %parallel_loop3A_347 = arith.mulf %parallel_loop3A_346, %parallel_loop3A_336 : vector<16xf32>
      %parallel_loop3A_348 = arith.mulf %parallel_loop3A_347, %parallel_loop3A_344 : vector<16xf32>
      %parallel_loop3A_349 = arith.mulf %parallel_loop3A_348, %parallel_loop3A_344 : vector<16xf32>
      %parallel_loop3A_350 = arith.constant 1.500000e+00 : f32
      %parallel_loop3A_351 = vector.broadcast %parallel_loop3A_350 : f32 to vector<16xf32>
      %parallel_loop3A_352 = arith.subf %parallel_loop3A_351, %parallel_loop3A_349 : vector<16xf32>
      %parallel_loop3A_353 = arith.mulf %parallel_loop3A_344, %parallel_loop3A_352 : vector<16xf32>
      %parallel_loop3A_354 = arith.constant 5.000000e-01 : f32
      %parallel_loop3A_355 = vector.broadcast %parallel_loop3A_354 : f32 to vector<16xf32>
      %parallel_loop3A_356 = arith.mulf %parallel_loop3A_355, %parallel_loop3A_336 : vector<16xf32>
      %parallel_loop3A_357 = arith.mulf %parallel_loop3A_356, %parallel_loop3A_353 : vector<16xf32>
      %parallel_loop3A_358 = arith.mulf %parallel_loop3A_357, %parallel_loop3A_353 : vector<16xf32>
      %parallel_loop3A_359 = arith.constant 1.500000e+00 : f32
      %parallel_loop3A_360 = vector.broadcast %parallel_loop3A_359 : f32 to vector<16xf32>
      %parallel_loop3A_361 = arith.subf %parallel_loop3A_360, %parallel_loop3A_358 : vector<16xf32>
      %parallel_loop3A_362 = arith.mulf %parallel_loop3A_353, %parallel_loop3A_361 : vector<16xf32>
      %parallel_loop3A_363 = arith.constant 5.000000e-01 : f32
      %parallel_loop3A_364 = vector.broadcast %parallel_loop3A_363 : f32 to vector<16xf32>
      %parallel_loop3A_365 = arith.mulf %parallel_loop3A_364, %parallel_loop3A_336 : vector<16xf32>
      %parallel_loop3A_366 = arith.mulf %parallel_loop3A_365, %parallel_loop3A_362 : vector<16xf32>
      %parallel_loop3A_367 = arith.mulf %parallel_loop3A_366, %parallel_loop3A_362 : vector<16xf32>
      %parallel_loop3A_368 = arith.constant 1.500000e+00 : f32
      %parallel_loop3A_369 = vector.broadcast %parallel_loop3A_368 : f32 to vector<16xf32>
      %parallel_loop3A_370 = arith.subf %parallel_loop3A_369, %parallel_loop3A_367 : vector<16xf32>
      %parallel_loop3A_371 = arith.mulf %parallel_loop3A_362, %parallel_loop3A_370 : vector<16xf32>
      %parallel_loop3A_372 = arith.mulf %parallel_loop3A_336, %parallel_loop3A_371 : vector<16xf32>
      %parallel_loop3A_373 = math.absf %parallel_loop3A_372 : vector<16xf32>
      %parallel_loop3A_374 = math.absf %parallel_loop3A_332 : vector<16xf32>
      %parallel_loop3A_375 = arith.cmpf ogt, %parallel_loop3A_373, %parallel_loop3A_374 : vector<16xf32>
      %parallel_loop3A_376 = arith.minimumf %parallel_loop3A_373, %parallel_loop3A_374 : vector<16xf32>
      %parallel_loop3A_377 = arith.maximumf %parallel_loop3A_373, %parallel_loop3A_374 : vector<16xf32>
      %parallel_loop3A_378 = arith.constant 1.000000e-30 : f32
      %parallel_loop3A_379 = vector.broadcast %parallel_loop3A_378 : f32 to vector<16xf32>
      %parallel_loop3A_380 = arith.maximumf %parallel_loop3A_377, %parallel_loop3A_379 : vector<16xf32>
      %parallel_loop3A_381 = arith.divf %parallel_loop3A_376, %parallel_loop3A_380 : vector<16xf32>
      %parallel_loop3A_382 = arith.constant 0.414213568 : f32
      %parallel_loop3A_383 = vector.broadcast %parallel_loop3A_382 : f32 to vector<16xf32>
      %parallel_loop3A_384 = arith.cmpf ogt, %parallel_loop3A_381, %parallel_loop3A_383 : vector<16xf32>
      %parallel_loop3A_385 = arith.constant 1.000000e+00 : f32
      %parallel_loop3A_386 = vector.broadcast %parallel_loop3A_385 : f32 to vector<16xf32>
      %parallel_loop3A_387 = arith.subf %parallel_loop3A_381, %parallel_loop3A_386 : vector<16xf32>
      %parallel_loop3A_388 = arith.constant 1.000000e+00 : f32
      %parallel_loop3A_389 = vector.broadcast %parallel_loop3A_388 : f32 to vector<16xf32>
      %parallel_loop3A_390 = arith.addf %parallel_loop3A_381, %parallel_loop3A_389 : vector<16xf32>
      %parallel_loop3A_391 = arith.divf %parallel_loop3A_387, %parallel_loop3A_390 : vector<16xf32>
      %parallel_loop3A_392 = arith.select %parallel_loop3A_384, %parallel_loop3A_391, %parallel_loop3A_381 : vector<16xi1>, vector<16xf32>
      %parallel_loop3A_393 = arith.mulf %parallel_loop3A_392, %parallel_loop3A_392 : vector<16xf32>
      %parallel_loop3A_394 = arith.constant 0.0805374458 : f32
      %parallel_loop3A_395 = vector.broadcast %parallel_loop3A_394 : f32 to vector<16xf32>
      %parallel_loop3A_396 = arith.mulf %parallel_loop3A_395, %parallel_loop3A_393 : vector<16xf32>
      %parallel_loop3A_397 = arith.constant 0.138776854 : f32
      %parallel_loop3A_398 = vector.broadcast %parallel_loop3A_397 : f32 to vector<16xf32>
      %parallel_loop3A_399 = arith.subf %parallel_loop3A_396, %parallel_loop3A_398 : vector<16xf32>
      %parallel_loop3A_400 = arith.mulf %parallel_loop3A_399, %parallel_loop3A_393 : vector<16xf32>
      %parallel_loop3A_401 = arith.constant 0.199777111 : f32
      %parallel_loop3A_402 = vector.broadcast %parallel_loop3A_401 : f32 to vector<16xf32>
      %parallel_loop3A_403 = arith.addf %parallel_loop3A_400, %parallel_loop3A_402 : vector<16xf32>
      %parallel_loop3A_404 = arith.mulf %parallel_loop3A_403, %parallel_loop3A_393 : vector<16xf32>
      %parallel_loop3A_405 = arith.constant 0.333329499 : f32
      %parallel_loop3A_406 = vector.broadcast %parallel_loop3A_405 : f32 to vector<16xf32>
      %parallel_loop3A_407 = arith.subf %parallel_loop3A_404, %parallel_loop3A_406 : vector<16xf32>
      %parallel_loop3A_408 = arith.mulf %parallel_loop3A_407, %parallel_loop3A_393 : vector<16xf32>
      %parallel_loop3A_409 = arith.mulf %parallel_loop3A_408, %parallel_loop3A_392 : vector<16xf32>
      %parallel_loop3A_410 = arith.addf %parallel_loop3A_409, %parallel_loop3A_392 : vector<16xf32>
      %parallel_loop3A_411 = arith.constant 0.785398185 : f32
      %parallel_loop3A_412 = vector.broadcast %parallel_loop3A_411 : f32 to vector<16xf32>
      %parallel_loop3A_413 = arith.addf %parallel_loop3A_412, %parallel_loop3A_410 : vector<16xf32>
      %parallel_loop3A_414 = arith.select %parallel_loop3A_384, %parallel_loop3A_413, %parallel_loop3A_410 : vector<16xi1>, vector<16xf32>
      %parallel_loop3A_415 = arith.constant 1.57079637 : f32
      %parallel_loop3A_416 = vector.broadcast %parallel_loop3A_415 : f32 to vector<16xf32>
      %parallel_loop3A_417 = arith.subf %parallel_loop3A_416, %parallel_loop3A_414 : vector<16xf32>
      %parallel_loop3A_418 = arith.select %parallel_loop3A_375, %parallel_loop3A_417, %parallel_loop3A_414 : vector<16xi1>, vector<16xf32>
      %parallel_loop3A_419 = arith.constant 0.000000e+00 : f32
      %parallel_loop3A_420 = vector.broadcast %parallel_loop3A_419 : f32 to vector<16xf32>
      %parallel_loop3A_421 = arith.cmpf olt, %parallel_loop3A_332, %parallel_loop3A_420 : vector<16xf32>
      %parallel_loop3A_422 = arith.constant 3.14159274 : f32
      %parallel_loop3A_423 = vector.broadcast %parallel_loop3A_422 : f32 to vector<16xf32>
      %parallel_loop3A_424 = arith.subf %parallel_loop3A_423, %parallel_loop3A_418 : vector<16xf32>
      %parallel_loop3A_425 = arith.select %parallel_loop3A_421, %parallel_loop3A_424, %parallel_loop3A_418 : vector<16xi1>, vector<16xf32>
      %parallel_loop3A_426 = arith.constant 0.000000e+00 : f32
      %parallel_loop3A_427 = vector.broadcast %parallel_loop3A_426 : f32 to vector<16xf32>
      %parallel_loop3A_428 = arith.cmpf olt, %parallel_loop3A_372, %parallel_loop3A_427 : vector<16xf32>
      %parallel_loop3A_429 = arith.constant 0.000000e+00 : f32
      %parallel_loop3A_430 = vector.broadcast %parallel_loop3A_429 : f32 to vector<16xf32>
      %parallel_loop3A_431 = arith.subf %parallel_loop3A_430, %parallel_loop3A_425 : vector<16xf32>
      %parallel_loop3A_432 = arith.select %parallel_loop3A_428, %parallel_loop3A_431, %parallel_loop3A_425 : vector<16xi1>, vector<16xf32>
      %parallel_loop3A_433 = arith.subf %parallel_loop3A_432, %parallel_loop3A_254 : vector<16xf32>
      %parallel_loop3A_434 = arith.mulf %parallel_loop3A_249, %parallel_loop3A_433 : vector<16xf32>
      %parallel_loop3A_435 = arith.subf %parallel_loop3A_432, %parallel_loop3A_254 : vector<16xf32>
      %parallel_loop3A_436 = arith.mulf %parallel_loop3A_434, %parallel_loop3A_435 : vector<16xf32>
      %parallel_loop3A_437 = arith.constant 256 : i32
      %parallel_loop3A_438 = arith.muli %select_n3A_30, %parallel_loop3A_437 : i32
      %parallel_loop3A_439 = arith.constant 16 : i32
      %parallel_loop3A_440 = arith.muli %parallel_loop3A_153, %parallel_loop3A_439 : i32
      %parallel_loop3A_441 = arith.addi %parallel_loop3A_438, %parallel_loop3A_440 : i32
      %parallel_loop3A_442 = vector.broadcast %parallel_loop3A_441 : i32 to vector<16xi32>
      %parallel_loop3A_443 = arith.addi %parallel_loop3A_442, %iota3A : vector<16xi32>
      %parallel_loop3A_444 = vector.broadcast %select_n3A_98 : i32 to vector<16xi32>
      %parallel_loop3A_445 = arith.cmpi slt, %parallel_loop3A_443, %parallel_loop3A_444 : vector<16xi32>
      %parallel_loop3A_446 = arith.constant 0.000000e+00 : f32
      %parallel_loop3A_447 = vector.broadcast %parallel_loop3A_446 : f32 to vector<16xf32>
      %parallel_loop3A_448 = arith.select %parallel_loop3A_445, %parallel_loop3A_436, %parallel_loop3A_447 : vector<16xi1>, vector<16xf32>
      %parallel_loop3A_449 = arith.addf %parallel_loop3A_154, %parallel_loop3A_448 : vector<16xf32>
      scf.yield %parallel_loop3A_449 : vector<16xf32>
    } {sc.loop_unroll_factor = 2 : i64, sc.parallel_access}
    %swap3A_139 = arith.constant 1 : i32
    %swap3A_140 = arith.index_cast %swap3A_139 : i32 to index
    %swap3A_141 = arith.constant 0 : index
    %swap3A_142 = tpu.vector_load %arg5[%swap3A_140, %swap3A_141] {strides = array<i32>} : memref<3x16xf32, #tpu.memory_space<vmem>>, vector<16xf32>,
    tpu.vector_store %arg5[%swap3A_140, %swap3A_141], %parallel_loop3A_138 {strides = array<i32>} : memref<3x16xf32, #tpu.memory_space<vmem>>, vector<16xf32>,
    %parallel_loop3A_143 = arith.constant 0 : i32
    %parallel_loop3A_144 = arith.constant 14 : i32
    %parallel_loop3A_145 = arith.constant 1 : i32
    %parallel_loop3A_146 = scf.for %parallel_loop3A_153 = %parallel_loop3A_143 to %parallel_loop3A_144 step %parallel_loop3A_145 iter_args(%parallel_loop3A_154 = %broadcast_in_dim3A_128) -> (vector<16xf32>)  : i32 {
      %parallel_loop3A_155 = arith.constant 16 : i32
      %parallel_loop3A_156 = arith.muli %parallel_loop3A_153, %parallel_loop3A_155 : i32
      %parallel_loop3A_157 = arith.constant 6176 : i32
      %parallel_loop3A_158 = arith.addi %parallel_loop3A_157, %parallel_loop3A_156 : i32
      %parallel_loop3A_159 = arith.index_cast %parallel_loop3A_158 : i32 to index
      %parallel_loop3A_160 = tpu.vector_load %arg4[%parallel_loop3A_159] {strides = array<i32>} : memref<7488xi32, #tpu.memory_space<vmem>>, vector<16xi32>,
      %parallel_loop3A_161 = arith.constant 16 : i32
      %parallel_loop3A_162 = arith.muli %parallel_loop3A_153, %parallel_loop3A_161 : i32
      %parallel_loop3A_163 = arith.constant 6400 : i32
      %parallel_loop3A_164 = arith.addi %parallel_loop3A_163, %parallel_loop3A_162 : i32
      %parallel_loop3A_165 = arith.index_cast %parallel_loop3A_164 : i32 to index
      %parallel_loop3A_166 = tpu.vector_load %arg4[%parallel_loop3A_165] {strides = array<i32>} : memref<7488xi32, #tpu.memory_space<vmem>>, vector<16xi32>,
      %parallel_loop3A_167 = arith.constant 16 : i32
      %parallel_loop3A_168 = arith.muli %parallel_loop3A_153, %parallel_loop3A_167 : i32
      %parallel_loop3A_169 = arith.constant 6624 : i32
      %parallel_loop3A_170 = arith.addi %parallel_loop3A_169, %parallel_loop3A_168 : i32
      %parallel_loop3A_171 = arith.index_cast %parallel_loop3A_170 : i32 to index
      %parallel_loop3A_172 = tpu.vector_load %arg4[%parallel_loop3A_171] {strides = array<i32>} : memref<7488xi32, #tpu.memory_space<vmem>>, vector<16xi32>,
      %parallel_loop3A_173 = arith.constant 16 : i32
      %parallel_loop3A_174 = arith.muli %parallel_loop3A_153, %parallel_loop3A_173 : i32
      %parallel_loop3A_175 = arith.constant 6848 : i32
      %parallel_loop3A_176 = arith.addi %parallel_loop3A_175, %parallel_loop3A_174 : i32
      %parallel_loop3A_177 = arith.index_cast %parallel_loop3A_176 : i32 to index
      %parallel_loop3A_178 = tpu.vector_load %arg4[%parallel_loop3A_177] {strides = array<i32>} : memref<7488xi32, #tpu.memory_space<vmem>>, vector<16xi32>,
      %parallel_loop3A_179 = arith.constant 16 : i32
      %parallel_loop3A_180 = arith.muli %parallel_loop3A_153, %parallel_loop3A_179 : i32
      %parallel_loop3A_181 = arith.constant 7072 : i32
      %parallel_loop3A_182 = arith.addi %parallel_loop3A_181, %parallel_loop3A_180 : i32
      %parallel_loop3A_183 = arith.index_cast %parallel_loop3A_182 : i32 to index
      %parallel_loop3A_184 = tpu.vector_load %arg4[%parallel_loop3A_183] {strides = array<i32>} : memref<7488xi32, #tpu.memory_space<vmem>>, vector<16xi32>,
      %parallel_loop3A_185 = tpu.vector_load_idx %arg4[%parallel_loop3A_160] : memref<7488xi32, #tpu.memory_space<vmem>>[vector<16xi32>], vector<16xi32>,
      %parallel_loop3A_186 = vector.bitcast %parallel_loop3A_185 : vector<16xi32> to vector<16xf32>
      %parallel_loop3A_187 = arith.constant 1 : i32
      %parallel_loop3A_188 = vector.broadcast %parallel_loop3A_187 : i32 to vector<16xi32>
      %parallel_loop3A_189 = arith.addi %parallel_loop3A_160, %parallel_loop3A_188 : vector<16xi32>
      %parallel_loop3A_190 = tpu.vector_load_idx %arg4[%parallel_loop3A_189] : memref<7488xi32, #tpu.memory_space<vmem>>[vector<16xi32>], vector<16xi32>,
      %parallel_loop3A_191 = vector.bitcast %parallel_loop3A_190 : vector<16xi32> to vector<16xf32>
      %parallel_loop3A_192 = arith.constant 2 : i32
      %parallel_loop3A_193 = vector.broadcast %parallel_loop3A_192 : i32 to vector<16xi32>
      %parallel_loop3A_194 = arith.addi %parallel_loop3A_160, %parallel_loop3A_193 : vector<16xi32>
      %parallel_loop3A_195 = tpu.vector_load_idx %arg4[%parallel_loop3A_194] : memref<7488xi32, #tpu.memory_space<vmem>>[vector<16xi32>], vector<16xi32>,
      %parallel_loop3A_196 = vector.bitcast %parallel_loop3A_195 : vector<16xi32> to vector<16xf32>
      %parallel_loop3A_197 = tpu.vector_load_idx %arg4[%parallel_loop3A_166] : memref<7488xi32, #tpu.memory_space<vmem>>[vector<16xi32>], vector<16xi32>,
      %parallel_loop3A_198 = vector.bitcast %parallel_loop3A_197 : vector<16xi32> to vector<16xf32>
      %parallel_loop3A_199 = arith.constant 1 : i32
      %parallel_loop3A_200 = vector.broadcast %parallel_loop3A_199 : i32 to vector<16xi32>
      %parallel_loop3A_201 = arith.addi %parallel_loop3A_166, %parallel_loop3A_200 : vector<16xi32>
      %parallel_loop3A_202 = tpu.vector_load_idx %arg4[%parallel_loop3A_201] : memref<7488xi32, #tpu.memory_space<vmem>>[vector<16xi32>], vector<16xi32>,
      %parallel_loop3A_203 = vector.bitcast %parallel_loop3A_202 : vector<16xi32> to vector<16xf32>
      %parallel_loop3A_204 = arith.constant 2 : i32
      %parallel_loop3A_205 = vector.broadcast %parallel_loop3A_204 : i32 to vector<16xi32>
      %parallel_loop3A_206 = arith.addi %parallel_loop3A_166, %parallel_loop3A_205 : vector<16xi32>
      %parallel_loop3A_207 = tpu.vector_load_idx %arg4[%parallel_loop3A_206] : memref<7488xi32, #tpu.memory_space<vmem>>[vector<16xi32>], vector<16xi32>,
      %parallel_loop3A_208 = vector.bitcast %parallel_loop3A_207 : vector<16xi32> to vector<16xf32>
      %parallel_loop3A_209 = tpu.vector_load_idx %arg4[%parallel_loop3A_172] : memref<7488xi32, #tpu.memory_space<vmem>>[vector<16xi32>], vector<16xi32>,
      %parallel_loop3A_210 = vector.bitcast %parallel_loop3A_209 : vector<16xi32> to vector<16xf32>
      %parallel_loop3A_211 = arith.constant 1 : i32
      %parallel_loop3A_212 = vector.broadcast %parallel_loop3A_211 : i32 to vector<16xi32>
      %parallel_loop3A_213 = arith.addi %parallel_loop3A_172, %parallel_loop3A_212 : vector<16xi32>
      %parallel_loop3A_214 = tpu.vector_load_idx %arg4[%parallel_loop3A_213] : memref<7488xi32, #tpu.memory_space<vmem>>[vector<16xi32>], vector<16xi32>,
      %parallel_loop3A_215 = vector.bitcast %parallel_loop3A_214 : vector<16xi32> to vector<16xf32>
      %parallel_loop3A_216 = arith.constant 2 : i32
      %parallel_loop3A_217 = vector.broadcast %parallel_loop3A_216 : i32 to vector<16xi32>
      %parallel_loop3A_218 = arith.addi %parallel_loop3A_172, %parallel_loop3A_217 : vector<16xi32>
      %parallel_loop3A_219 = tpu.vector_load_idx %arg4[%parallel_loop3A_218] : memref<7488xi32, #tpu.memory_space<vmem>>[vector<16xi32>], vector<16xi32>,
      %parallel_loop3A_220 = vector.bitcast %parallel_loop3A_219 : vector<16xi32> to vector<16xf32>
      %parallel_loop3A_221 = tpu.vector_load_idx %arg4[%parallel_loop3A_178] : memref<7488xi32, #tpu.memory_space<vmem>>[vector<16xi32>], vector<16xi32>,
      %parallel_loop3A_222 = vector.bitcast %parallel_loop3A_221 : vector<16xi32> to vector<16xf32>
      %parallel_loop3A_223 = arith.constant 1 : i32
      %parallel_loop3A_224 = vector.broadcast %parallel_loop3A_223 : i32 to vector<16xi32>
      %parallel_loop3A_225 = arith.addi %parallel_loop3A_178, %parallel_loop3A_224 : vector<16xi32>
      %parallel_loop3A_226 = tpu.vector_load_idx %arg4[%parallel_loop3A_225] : memref<7488xi32, #tpu.memory_space<vmem>>[vector<16xi32>], vector<16xi32>,
      %parallel_loop3A_227 = vector.bitcast %parallel_loop3A_226 : vector<16xi32> to vector<16xf32>
      %parallel_loop3A_228 = arith.constant 2 : i32
      %parallel_loop3A_229 = vector.broadcast %parallel_loop3A_228 : i32 to vector<16xi32>
      %parallel_loop3A_230 = arith.addi %parallel_loop3A_178, %parallel_loop3A_229 : vector<16xi32>
      %parallel_loop3A_231 = tpu.vector_load_idx %arg4[%parallel_loop3A_230] : memref<7488xi32, #tpu.memory_space<vmem>>[vector<16xi32>], vector<16xi32>,
      %parallel_loop3A_232 = vector.bitcast %parallel_loop3A_231 : vector<16xi32> to vector<16xf32>
      %parallel_loop3A_233 = arith.subf %parallel_loop3A_198, %parallel_loop3A_186 : vector<16xf32>
      %parallel_loop3A_234 = arith.subf %parallel_loop3A_203, %parallel_loop3A_191 : vector<16xf32>
      %parallel_loop3A_235 = arith.subf %parallel_loop3A_208, %parallel_loop3A_196 : vector<16xf32>
      %parallel_loop3A_236 = arith.subf %parallel_loop3A_210, %parallel_loop3A_198 : vector<16xf32>
      %parallel_loop3A_237 = arith.subf %parallel_loop3A_215, %parallel_loop3A_203 : vector<16xf32>
      %parallel_loop3A_238 = arith.subf %parallel_loop3A_220, %parallel_loop3A_208 : vector<16xf32>
      %parallel_loop3A_239 = arith.subf %parallel_loop3A_222, %parallel_loop3A_210 : vector<16xf32>
      %parallel_loop3A_240 = arith.subf %parallel_loop3A_227, %parallel_loop3A_215 : vector<16xf32>
      %parallel_loop3A_241 = arith.subf %parallel_loop3A_232, %parallel_loop3A_220 : vector<16xf32>
      %parallel_loop3A_242 = arith.mulf %parallel_loop3A_234, %parallel_loop3A_238 : vector<16xf32>
      %parallel_loop3A_243 = arith.mulf %parallel_loop3A_235, %parallel_loop3A_237 : vector<16xf32>
      %parallel_loop3A_244 = arith.subf %parallel_loop3A_242, %parallel_loop3A_243 : vector<16xf32>
      %parallel_loop3A_245 = arith.mulf %parallel_loop3A_235, %parallel_loop3A_236 : vector<16xf32>
      %parallel_loop3A_246 = arith.mulf %parallel_loop3A_233, %parallel_loop3A_238 : vector<16xf32>
      %parallel_loop3A_247 = arith.subf %parallel_loop3A_245, %parallel_loop3A_246 : vector<16xf32>
      %parallel_loop3A_248 = arith.mulf %parallel_loop3A_233, %parallel_loop3A_237 : vector<16xf32>
      %parallel_loop3A_249 = arith.mulf %parallel_loop3A_234, %parallel_loop3A_236 : vector<16xf32>
      %parallel_loop3A_250 = arith.subf %parallel_loop3A_248, %parallel_loop3A_249 : vector<16xf32>
      %parallel_loop3A_251 = arith.mulf %parallel_loop3A_237, %parallel_loop3A_241 : vector<16xf32>
      %parallel_loop3A_252 = arith.mulf %parallel_loop3A_238, %parallel_loop3A_240 : vector<16xf32>
      %parallel_loop3A_253 = arith.subf %parallel_loop3A_251, %parallel_loop3A_252 : vector<16xf32>
      %parallel_loop3A_254 = arith.mulf %parallel_loop3A_238, %parallel_loop3A_239 : vector<16xf32>
      %parallel_loop3A_255 = arith.mulf %parallel_loop3A_236, %parallel_loop3A_241 : vector<16xf32>
      %parallel_loop3A_256 = arith.subf %parallel_loop3A_254, %parallel_loop3A_255 : vector<16xf32>
      %parallel_loop3A_257 = arith.mulf %parallel_loop3A_236, %parallel_loop3A_240 : vector<16xf32>
      %parallel_loop3A_258 = arith.mulf %parallel_loop3A_237, %parallel_loop3A_239 : vector<16xf32>
      %parallel_loop3A_259 = arith.subf %parallel_loop3A_257, %parallel_loop3A_258 : vector<16xf32>
      %parallel_loop3A_260 = arith.mulf %parallel_loop3A_247, %parallel_loop3A_238 : vector<16xf32>
      %parallel_loop3A_261 = arith.mulf %parallel_loop3A_250, %parallel_loop3A_237 : vector<16xf32>
      %parallel_loop3A_262 = arith.subf %parallel_loop3A_260, %parallel_loop3A_261 : vector<16xf32>
      %parallel_loop3A_263 = arith.mulf %parallel_loop3A_250, %parallel_loop3A_236 : vector<16xf32>
      %parallel_loop3A_264 = arith.mulf %parallel_loop3A_244, %parallel_loop3A_238 : vector<16xf32>
      %parallel_loop3A_265 = arith.subf %parallel_loop3A_263, %parallel_loop3A_264 : vector<16xf32>
      %parallel_loop3A_266 = arith.mulf %parallel_loop3A_244, %parallel_loop3A_237 : vector<16xf32>
      %parallel_loop3A_267 = arith.mulf %parallel_loop3A_247, %parallel_loop3A_236 : vector<16xf32>
      %parallel_loop3A_268 = arith.subf %parallel_loop3A_266, %parallel_loop3A_267 : vector<16xf32>
      %parallel_loop3A_269 = arith.mulf %parallel_loop3A_244, %parallel_loop3A_253 : vector<16xf32>
      %parallel_loop3A_270 = arith.mulf %parallel_loop3A_247, %parallel_loop3A_256 : vector<16xf32>
      %parallel_loop3A_271 = arith.addf %parallel_loop3A_269, %parallel_loop3A_270 : vector<16xf32>
      %parallel_loop3A_272 = arith.mulf %parallel_loop3A_250, %parallel_loop3A_259 : vector<16xf32>
      %parallel_loop3A_273 = arith.addf %parallel_loop3A_271, %parallel_loop3A_272 : vector<16xf32>
      %parallel_loop3A_274 = arith.mulf %parallel_loop3A_262, %parallel_loop3A_253 : vector<16xf32>
      %parallel_loop3A_275 = arith.mulf %parallel_loop3A_265, %parallel_loop3A_256 : vector<16xf32>
      %parallel_loop3A_276 = arith.addf %parallel_loop3A_274, %parallel_loop3A_275 : vector<16xf32>
      %parallel_loop3A_277 = arith.mulf %parallel_loop3A_268, %parallel_loop3A_259 : vector<16xf32>
      %parallel_loop3A_278 = arith.addf %parallel_loop3A_276, %parallel_loop3A_277 : vector<16xf32>
      %parallel_loop3A_279 = arith.mulf %parallel_loop3A_236, %parallel_loop3A_236 : vector<16xf32>
      %parallel_loop3A_280 = arith.mulf %parallel_loop3A_237, %parallel_loop3A_237 : vector<16xf32>
      %parallel_loop3A_281 = arith.addf %parallel_loop3A_279, %parallel_loop3A_280 : vector<16xf32>
      %parallel_loop3A_282 = arith.mulf %parallel_loop3A_238, %parallel_loop3A_238 : vector<16xf32>
      %parallel_loop3A_283 = arith.addf %parallel_loop3A_281, %parallel_loop3A_282 : vector<16xf32>
      %parallel_loop3A_284 = vector.bitcast %parallel_loop3A_283 : vector<16xf32> to vector<16xi32>
      %parallel_loop3A_285 = arith.constant 1 : i32
      %parallel_loop3A_286 = vector.broadcast %parallel_loop3A_285 : i32 to vector<16xi32>
      %parallel_loop3A_287 = arith.shrsi %parallel_loop3A_284, %parallel_loop3A_286 : vector<16xi32>
      %parallel_loop3A_288 = arith.constant 1597463007 : i32
      %parallel_loop3A_289 = vector.broadcast %parallel_loop3A_288 : i32 to vector<16xi32>
      %parallel_loop3A_290 = arith.subi %parallel_loop3A_289, %parallel_loop3A_287 : vector<16xi32>
      %parallel_loop3A_291 = vector.bitcast %parallel_loop3A_290 : vector<16xi32> to vector<16xf32>
      %parallel_loop3A_292 = arith.constant 5.000000e-01 : f32
      %parallel_loop3A_293 = vector.broadcast %parallel_loop3A_292 : f32 to vector<16xf32>
      %parallel_loop3A_294 = arith.mulf %parallel_loop3A_293, %parallel_loop3A_283 : vector<16xf32>
      %parallel_loop3A_295 = arith.mulf %parallel_loop3A_294, %parallel_loop3A_291 : vector<16xf32>
      %parallel_loop3A_296 = arith.mulf %parallel_loop3A_295, %parallel_loop3A_291 : vector<16xf32>
      %parallel_loop3A_297 = arith.constant 1.500000e+00 : f32
      %parallel_loop3A_298 = vector.broadcast %parallel_loop3A_297 : f32 to vector<16xf32>
      %parallel_loop3A_299 = arith.subf %parallel_loop3A_298, %parallel_loop3A_296 : vector<16xf32>
      %parallel_loop3A_300 = arith.mulf %parallel_loop3A_291, %parallel_loop3A_299 : vector<16xf32>
      %parallel_loop3A_301 = arith.constant 5.000000e-01 : f32
      %parallel_loop3A_302 = vector.broadcast %parallel_loop3A_301 : f32 to vector<16xf32>
      %parallel_loop3A_303 = arith.mulf %parallel_loop3A_302, %parallel_loop3A_283 : vector<16xf32>
      %parallel_loop3A_304 = arith.mulf %parallel_loop3A_303, %parallel_loop3A_300 : vector<16xf32>
      %parallel_loop3A_305 = arith.mulf %parallel_loop3A_304, %parallel_loop3A_300 : vector<16xf32>
      %parallel_loop3A_306 = arith.constant 1.500000e+00 : f32
      %parallel_loop3A_307 = vector.broadcast %parallel_loop3A_306 : f32 to vector<16xf32>
      %parallel_loop3A_308 = arith.subf %parallel_loop3A_307, %parallel_loop3A_305 : vector<16xf32>
      %parallel_loop3A_309 = arith.mulf %parallel_loop3A_300, %parallel_loop3A_308 : vector<16xf32>
      %parallel_loop3A_310 = arith.constant 5.000000e-01 : f32
      %parallel_loop3A_311 = vector.broadcast %parallel_loop3A_310 : f32 to vector<16xf32>
      %parallel_loop3A_312 = arith.mulf %parallel_loop3A_311, %parallel_loop3A_283 : vector<16xf32>
      %parallel_loop3A_313 = arith.mulf %parallel_loop3A_312, %parallel_loop3A_309 : vector<16xf32>
      %parallel_loop3A_314 = arith.mulf %parallel_loop3A_313, %parallel_loop3A_309 : vector<16xf32>
      %parallel_loop3A_315 = arith.constant 1.500000e+00 : f32
      %parallel_loop3A_316 = vector.broadcast %parallel_loop3A_315 : f32 to vector<16xf32>
      %parallel_loop3A_317 = arith.subf %parallel_loop3A_316, %parallel_loop3A_314 : vector<16xf32>
      %parallel_loop3A_318 = arith.mulf %parallel_loop3A_309, %parallel_loop3A_317 : vector<16xf32>
      %parallel_loop3A_319 = arith.mulf %parallel_loop3A_283, %parallel_loop3A_318 : vector<16xf32>
      %parallel_loop3A_320 = arith.constant 9.99999996E-13 : f32
      %parallel_loop3A_321 = vector.broadcast %parallel_loop3A_320 : f32 to vector<16xf32>
      %parallel_loop3A_322 = arith.addf %parallel_loop3A_319, %parallel_loop3A_321 : vector<16xf32>
      %parallel_loop3A_323 = arith.divf %parallel_loop3A_278, %parallel_loop3A_322 : vector<16xf32>
      %parallel_loop3A_324 = arith.constant 9.99999996E-13 : f32
      %parallel_loop3A_325 = vector.broadcast %parallel_loop3A_324 : f32 to vector<16xf32>
      %parallel_loop3A_326 = arith.addf %parallel_loop3A_273, %parallel_loop3A_325 : vector<16xf32>
      %parallel_loop3A_327 = arith.mulf %parallel_loop3A_326, %parallel_loop3A_326 : vector<16xf32>
      %parallel_loop3A_328 = arith.mulf %parallel_loop3A_323, %parallel_loop3A_323 : vector<16xf32>
      %parallel_loop3A_329 = arith.addf %parallel_loop3A_327, %parallel_loop3A_328 : vector<16xf32>
      %parallel_loop3A_330 = arith.constant 1.000000e-30 : f32
      %parallel_loop3A_331 = vector.broadcast %parallel_loop3A_330 : f32 to vector<16xf32>
      %parallel_loop3A_332 = arith.addf %parallel_loop3A_329, %parallel_loop3A_331 : vector<16xf32>
      %parallel_loop3A_333 = vector.bitcast %parallel_loop3A_332 : vector<16xf32> to vector<16xi32>
      %parallel_loop3A_334 = arith.constant 1 : i32
      %parallel_loop3A_335 = vector.broadcast %parallel_loop3A_334 : i32 to vector<16xi32>
      %parallel_loop3A_336 = arith.shrsi %parallel_loop3A_333, %parallel_loop3A_335 : vector<16xi32>
      %parallel_loop3A_337 = arith.constant 1597463007 : i32
      %parallel_loop3A_338 = vector.broadcast %parallel_loop3A_337 : i32 to vector<16xi32>
      %parallel_loop3A_339 = arith.subi %parallel_loop3A_338, %parallel_loop3A_336 : vector<16xi32>
      %parallel_loop3A_340 = vector.bitcast %parallel_loop3A_339 : vector<16xi32> to vector<16xf32>
      %parallel_loop3A_341 = arith.constant 5.000000e-01 : f32
      %parallel_loop3A_342 = vector.broadcast %parallel_loop3A_341 : f32 to vector<16xf32>
      %parallel_loop3A_343 = arith.mulf %parallel_loop3A_342, %parallel_loop3A_332 : vector<16xf32>
      %parallel_loop3A_344 = arith.mulf %parallel_loop3A_343, %parallel_loop3A_340 : vector<16xf32>
      %parallel_loop3A_345 = arith.mulf %parallel_loop3A_344, %parallel_loop3A_340 : vector<16xf32>
      %parallel_loop3A_346 = arith.constant 1.500000e+00 : f32
      %parallel_loop3A_347 = vector.broadcast %parallel_loop3A_346 : f32 to vector<16xf32>
      %parallel_loop3A_348 = arith.subf %parallel_loop3A_347, %parallel_loop3A_345 : vector<16xf32>
      %parallel_loop3A_349 = arith.mulf %parallel_loop3A_340, %parallel_loop3A_348 : vector<16xf32>
      %parallel_loop3A_350 = arith.constant 5.000000e-01 : f32
      %parallel_loop3A_351 = vector.broadcast %parallel_loop3A_350 : f32 to vector<16xf32>
      %parallel_loop3A_352 = arith.mulf %parallel_loop3A_351, %parallel_loop3A_332 : vector<16xf32>
      %parallel_loop3A_353 = arith.mulf %parallel_loop3A_352, %parallel_loop3A_349 : vector<16xf32>
      %parallel_loop3A_354 = arith.mulf %parallel_loop3A_353, %parallel_loop3A_349 : vector<16xf32>
      %parallel_loop3A_355 = arith.constant 1.500000e+00 : f32
      %parallel_loop3A_356 = vector.broadcast %parallel_loop3A_355 : f32 to vector<16xf32>
      %parallel_loop3A_357 = arith.subf %parallel_loop3A_356, %parallel_loop3A_354 : vector<16xf32>
      %parallel_loop3A_358 = arith.mulf %parallel_loop3A_349, %parallel_loop3A_357 : vector<16xf32>
      %parallel_loop3A_359 = arith.constant 5.000000e-01 : f32
      %parallel_loop3A_360 = vector.broadcast %parallel_loop3A_359 : f32 to vector<16xf32>
      %parallel_loop3A_361 = arith.mulf %parallel_loop3A_360, %parallel_loop3A_332 : vector<16xf32>
      %parallel_loop3A_362 = arith.mulf %parallel_loop3A_361, %parallel_loop3A_358 : vector<16xf32>
      %parallel_loop3A_363 = arith.mulf %parallel_loop3A_362, %parallel_loop3A_358 : vector<16xf32>
      %parallel_loop3A_364 = arith.constant 1.500000e+00 : f32
      %parallel_loop3A_365 = vector.broadcast %parallel_loop3A_364 : f32 to vector<16xf32>
      %parallel_loop3A_366 = arith.subf %parallel_loop3A_365, %parallel_loop3A_363 : vector<16xf32>
      %parallel_loop3A_367 = arith.mulf %parallel_loop3A_358, %parallel_loop3A_366 : vector<16xf32>
      %parallel_loop3A_368 = arith.mulf %parallel_loop3A_326, %parallel_loop3A_367 : vector<16xf32>
      %parallel_loop3A_369 = arith.mulf %parallel_loop3A_323, %parallel_loop3A_367 : vector<16xf32>
      %parallel_loop3A_370 = arith.constant 2.000000e+00 : f32
      %parallel_loop3A_371 = vector.broadcast %parallel_loop3A_370 : f32 to vector<16xf32>
      %parallel_loop3A_372 = arith.mulf %parallel_loop3A_371, %parallel_loop3A_368 : vector<16xf32>
      %parallel_loop3A_373 = arith.mulf %parallel_loop3A_372, %parallel_loop3A_368 : vector<16xf32>
      %parallel_loop3A_374 = arith.constant 1.000000e+00 : f32
      %parallel_loop3A_375 = vector.broadcast %parallel_loop3A_374 : f32 to vector<16xf32>
      %parallel_loop3A_376 = arith.subf %parallel_loop3A_373, %parallel_loop3A_375 : vector<16xf32>
      %parallel_loop3A_377 = arith.constant 2.000000e+00 : f32
      %parallel_loop3A_378 = vector.broadcast %parallel_loop3A_377 : f32 to vector<16xf32>
      %parallel_loop3A_379 = arith.mulf %parallel_loop3A_378, %parallel_loop3A_369 : vector<16xf32>
      %parallel_loop3A_380 = arith.mulf %parallel_loop3A_379, %parallel_loop3A_368 : vector<16xf32>
      %parallel_loop3A_381 = arith.constant 4.000000e+00 : f32
      %parallel_loop3A_382 = vector.broadcast %parallel_loop3A_381 : f32 to vector<16xf32>
      %parallel_loop3A_383 = arith.mulf %parallel_loop3A_382, %parallel_loop3A_368 : vector<16xf32>
      %parallel_loop3A_384 = arith.mulf %parallel_loop3A_383, %parallel_loop3A_368 : vector<16xf32>
      %parallel_loop3A_385 = arith.constant 3.000000e+00 : f32
      %parallel_loop3A_386 = vector.broadcast %parallel_loop3A_385 : f32 to vector<16xf32>
      %parallel_loop3A_387 = arith.subf %parallel_loop3A_384, %parallel_loop3A_386 : vector<16xf32>
      %parallel_loop3A_388 = arith.mulf %parallel_loop3A_368, %parallel_loop3A_387 : vector<16xf32>
      %parallel_loop3A_389 = arith.constant 4.000000e+00 : f32
      %parallel_loop3A_390 = vector.broadcast %parallel_loop3A_389 : f32 to vector<16xf32>
      %parallel_loop3A_391 = arith.mulf %parallel_loop3A_390, %parallel_loop3A_368 : vector<16xf32>
      %parallel_loop3A_392 = arith.mulf %parallel_loop3A_391, %parallel_loop3A_368 : vector<16xf32>
      %parallel_loop3A_393 = arith.constant 1.000000e+00 : f32
      %parallel_loop3A_394 = vector.broadcast %parallel_loop3A_393 : f32 to vector<16xf32>
      %parallel_loop3A_395 = arith.subf %parallel_loop3A_392, %parallel_loop3A_394 : vector<16xf32>
      %parallel_loop3A_396 = arith.mulf %parallel_loop3A_369, %parallel_loop3A_395 : vector<16xf32>
      %parallel_loop3A_397 = arith.constant 2.000000e+00 : f32
      %parallel_loop3A_398 = vector.broadcast %parallel_loop3A_397 : f32 to vector<16xf32>
      %parallel_loop3A_399 = arith.mulf %parallel_loop3A_398, %parallel_loop3A_376 : vector<16xf32>
      %parallel_loop3A_400 = arith.mulf %parallel_loop3A_399, %parallel_loop3A_376 : vector<16xf32>
      %parallel_loop3A_401 = arith.constant 1.000000e+00 : f32
      %parallel_loop3A_402 = vector.broadcast %parallel_loop3A_401 : f32 to vector<16xf32>
      %parallel_loop3A_403 = arith.subf %parallel_loop3A_400, %parallel_loop3A_402 : vector<16xf32>
      %parallel_loop3A_404 = arith.constant 2.000000e+00 : f32
      %parallel_loop3A_405 = vector.broadcast %parallel_loop3A_404 : f32 to vector<16xf32>
      %parallel_loop3A_406 = arith.mulf %parallel_loop3A_405, %parallel_loop3A_380 : vector<16xf32>
      %parallel_loop3A_407 = arith.mulf %parallel_loop3A_406, %parallel_loop3A_376 : vector<16xf32>
      %parallel_loop3A_408 = arith.constant 7452 : i32
      %parallel_loop3A_409 = vector.broadcast %parallel_loop3A_408 : i32 to vector<16xi32>
      %parallel_loop3A_410 = arith.addi %parallel_loop3A_184, %parallel_loop3A_409 : vector<16xi32>
      %parallel_loop3A_411 = tpu.vector_load_idx %arg4[%parallel_loop3A_410] : memref<7488xi32, #tpu.memory_space<vmem>>[vector<16xi32>], vector<16xi32>,
      %parallel_loop3A_412 = vector.bitcast %parallel_loop3A_411 : vector<16xi32> to vector<16xf32>
      %parallel_loop3A_413 = arith.constant 1.000000e+00 : f32
      %parallel_loop3A_414 = vector.broadcast %parallel_loop3A_413 : f32 to vector<16xf32>
      %parallel_loop3A_415 = arith.cmpf oeq, %parallel_loop3A_412, %parallel_loop3A_414 : vector<16xf32>
      %parallel_loop3A_416 = arith.constant 2.000000e+00 : f32
      %parallel_loop3A_417 = vector.broadcast %parallel_loop3A_416 : f32 to vector<16xf32>
      %parallel_loop3A_418 = arith.cmpf oeq, %parallel_loop3A_412, %parallel_loop3A_417 : vector<16xf32>
      %parallel_loop3A_419 = arith.constant 3.000000e+00 : f32
      %parallel_loop3A_420 = vector.broadcast %parallel_loop3A_419 : f32 to vector<16xf32>
      %parallel_loop3A_421 = arith.cmpf oeq, %parallel_loop3A_412, %parallel_loop3A_420 : vector<16xf32>
      %parallel_loop3A_422 = arith.select %parallel_loop3A_421, %parallel_loop3A_388, %parallel_loop3A_403 : vector<16xi1>, vector<16xf32>
      %parallel_loop3A_423 = arith.select %parallel_loop3A_418, %parallel_loop3A_376, %parallel_loop3A_422 : vector<16xi1>, vector<16xf32>
      %parallel_loop3A_424 = arith.select %parallel_loop3A_415, %parallel_loop3A_368, %parallel_loop3A_423 : vector<16xi1>, vector<16xf32>
      %parallel_loop3A_425 = arith.constant 1.000000e+00 : f32
      %parallel_loop3A_426 = vector.broadcast %parallel_loop3A_425 : f32 to vector<16xf32>
      %parallel_loop3A_427 = arith.cmpf oeq, %parallel_loop3A_412, %parallel_loop3A_426 : vector<16xf32>
      %parallel_loop3A_428 = arith.constant 2.000000e+00 : f32
      %parallel_loop3A_429 = vector.broadcast %parallel_loop3A_428 : f32 to vector<16xf32>
      %parallel_loop3A_430 = arith.cmpf oeq, %parallel_loop3A_412, %parallel_loop3A_429 : vector<16xf32>
      %parallel_loop3A_431 = arith.constant 3.000000e+00 : f32
      %parallel_loop3A_432 = vector.broadcast %parallel_loop3A_431 : f32 to vector<16xf32>
      %parallel_loop3A_433 = arith.cmpf oeq, %parallel_loop3A_412, %parallel_loop3A_432 : vector<16xf32>
      %parallel_loop3A_434 = arith.select %parallel_loop3A_433, %parallel_loop3A_396, %parallel_loop3A_407 : vector<16xi1>, vector<16xf32>
      %parallel_loop3A_435 = arith.select %parallel_loop3A_430, %parallel_loop3A_380, %parallel_loop3A_434 : vector<16xi1>, vector<16xf32>
      %parallel_loop3A_436 = arith.select %parallel_loop3A_427, %parallel_loop3A_369, %parallel_loop3A_435 : vector<16xi1>, vector<16xf32>
      %parallel_loop3A_437 = arith.constant 2 : i32
      %parallel_loop3A_438 = vector.broadcast %parallel_loop3A_437 : i32 to vector<16xi32>
      %parallel_loop3A_439 = arith.muli %parallel_loop3A_438, %parallel_loop3A_184 : vector<16xi32>
      %parallel_loop3A_440 = arith.constant 7352 : i32
      %parallel_loop3A_441 = vector.broadcast %parallel_loop3A_440 : i32 to vector<16xi32>
      %parallel_loop3A_442 = arith.addi %parallel_loop3A_439, %parallel_loop3A_441 : vector<16xi32>
      %parallel_loop3A_443 = tpu.vector_load_idx %arg4[%parallel_loop3A_442] : memref<7488xi32, #tpu.memory_space<vmem>>[vector<16xi32>], vector<16xi32>,
      %parallel_loop3A_444 = vector.bitcast %parallel_loop3A_443 : vector<16xi32> to vector<16xf32>
      %parallel_loop3A_445 = arith.constant 7402 : i32
      %parallel_loop3A_446 = vector.broadcast %parallel_loop3A_445 : i32 to vector<16xi32>
      %parallel_loop3A_447 = arith.addi %parallel_loop3A_439, %parallel_loop3A_446 : vector<16xi32>
      %parallel_loop3A_448 = tpu.vector_load_idx %arg4[%parallel_loop3A_447] : memref<7488xi32, #tpu.memory_space<vmem>>[vector<16xi32>], vector<16xi32>,
      %parallel_loop3A_449 = vector.bitcast %parallel_loop3A_448 : vector<16xi32> to vector<16xf32>
      %parallel_loop3A_450 = arith.constant 7403 : i32
      %parallel_loop3A_451 = vector.broadcast %parallel_loop3A_450 : i32 to vector<16xi32>
      %parallel_loop3A_452 = arith.addi %parallel_loop3A_439, %parallel_loop3A_451 : vector<16xi32>
      %parallel_loop3A_453 = tpu.vector_load_idx %arg4[%parallel_loop3A_452] : memref<7488xi32, #tpu.memory_space<vmem>>[vector<16xi32>], vector<16xi32>,
      %parallel_loop3A_454 = vector.bitcast %parallel_loop3A_453 : vector<16xi32> to vector<16xf32>
      %parallel_loop3A_455 = arith.mulf %parallel_loop3A_424, %parallel_loop3A_449 : vector<16xf32>
      %parallel_loop3A_456 = arith.constant 1.000000e+00 : f32
      %parallel_loop3A_457 = vector.broadcast %parallel_loop3A_456 : f32 to vector<16xf32>
      %parallel_loop3A_458 = arith.addf %parallel_loop3A_457, %parallel_loop3A_455 : vector<16xf32>
      %parallel_loop3A_459 = arith.mulf %parallel_loop3A_436, %parallel_loop3A_454 : vector<16xf32>
      %parallel_loop3A_460 = arith.addf %parallel_loop3A_458, %parallel_loop3A_459 : vector<16xf32>
      %parallel_loop3A_461 = arith.mulf %parallel_loop3A_444, %parallel_loop3A_460 : vector<16xf32>
      %parallel_loop3A_462 = arith.constant 224 : i32
      %parallel_loop3A_463 = arith.muli %select_n3A_30, %parallel_loop3A_462 : i32
      %parallel_loop3A_464 = arith.constant 16 : i32
      %parallel_loop3A_465 = arith.muli %parallel_loop3A_153, %parallel_loop3A_464 : i32
      %parallel_loop3A_466 = arith.addi %parallel_loop3A_463, %parallel_loop3A_465 : i32
      %parallel_loop3A_467 = vector.broadcast %parallel_loop3A_466 : i32 to vector<16xi32>
      %parallel_loop3A_468 = arith.addi %parallel_loop3A_467, %iota3A : vector<16xi32>
      %parallel_loop3A_469 = vector.broadcast %select_n3A_127 : i32 to vector<16xi32>
      %parallel_loop3A_470 = arith.cmpi slt, %parallel_loop3A_468, %parallel_loop3A_469 : vector<16xi32>
      %parallel_loop3A_471 = arith.constant 0.000000e+00 : f32
      %parallel_loop3A_472 = vector.broadcast %parallel_loop3A_471 : f32 to vector<16xf32>
      %parallel_loop3A_473 = arith.select %parallel_loop3A_470, %parallel_loop3A_461, %parallel_loop3A_472 : vector<16xi1>, vector<16xf32>
      %parallel_loop3A_474 = arith.addf %parallel_loop3A_154, %parallel_loop3A_473 : vector<16xf32>
      scf.yield %parallel_loop3A_474 : vector<16xf32>
    } {sc.loop_unroll_factor = 2 : i64, sc.parallel_access}
    %swap3A_147 = arith.constant 2 : i32
    %swap3A_148 = arith.index_cast %swap3A_147 : i32 to index
    %swap3A_149 = arith.constant 0 : index
    %swap3A_150 = tpu.vector_load %arg5[%swap3A_148, %swap3A_149] {strides = array<i32>} : memref<3x16xf32, #tpu.memory_space<vmem>>, vector<16xf32>,
    tpu.vector_store %arg5[%swap3A_148, %swap3A_149], %parallel_loop3A_146 {strides = array<i32>} : memref<3x16xf32, #tpu.memory_space<vmem>>, vector<16xf32>,
    %mul3A_151 = arith.constant 16 : i32
    %mul3A_152 = arith.muli %select_n3A_30, %mul3A_151 : i32
    "tpu.region"() ({
      %run_scoped3A = tpu.sem_alloc : memref<!tpu.dma_semaphore, #tpu.memory_space<semaphore_mem>>
      %dma_start3A_153 = arith.constant 0 : i32
      %dma_start3A_154 = tpu.memref_slice %arg3[%dma_start3A_153, %select_n3A, %mul3A_152] : memref<3x8x64xf32, #tpu.memory_space<hbm>> -> memref<3x1x16xf32, #tpu.memory_space<hbm>>
      %dma_start3A_155 = tpu.memref_squeeze %dma_start3A_154 : memref<3x1x16xf32, #tpu.memory_space<hbm>> -> memref<3x16xf32, #tpu.memory_space<hbm>>
      %dma_start3A_156 = arith.constant 0 : i32
      %dma_start3A_157 = tpu.memref_slice %arg3[%dma_start3A_156, %select_n3A, %mul3A_152] : memref<3x8x64xf32, #tpu.memory_space<hbm>> -> memref<3x1x16xf32, #tpu.memory_space<hbm>>
      %dma_start3A_158 = tpu.memref_squeeze %dma_start3A_157 : memref<3x1x16xf32, #tpu.memory_space<hbm>> -> memref<3x16xf32, #tpu.memory_space<hbm>>
      tpu.enqueue_dma source(%arg5 : memref<3x16xf32, #tpu.memory_space<vmem>>) target(%dma_start3A_158 : memref<3x16xf32, #tpu.memory_space<hbm>>) target_semaphore(%run_scoped3A : memref<!tpu.dma_semaphore, #tpu.memory_space<semaphore_mem>>)
      %dma_wait3A_159 = arith.constant 0 : i32
      %dma_wait3A_160 = tpu.memref_slice %arg3[%dma_wait3A_159, %select_n3A, %mul3A_152] : memref<3x8x64xf32, #tpu.memory_space<hbm>> -> memref<3x1x16xf32, #tpu.memory_space<hbm>>
      %dma_wait3A_161 = tpu.memref_squeeze %dma_wait3A_160 : memref<3x1x16xf32, #tpu.memory_space<hbm>> -> memref<3x16xf32, #tpu.memory_space<hbm>>
      %dma_wait3A_162 = arith.constant 0 : i32
      %dma_wait3A_163 = tpu.memref_slice %arg3[%dma_wait3A_162, %select_n3A, %mul3A_152] : memref<3x8x64xf32, #tpu.memory_space<hbm>> -> memref<3x1x16xf32, #tpu.memory_space<hbm>>
      %dma_wait3A_164 = tpu.memref_squeeze %dma_wait3A_163 : memref<3x1x16xf32, #tpu.memory_space<hbm>> -> memref<3x16xf32, #tpu.memory_space<hbm>>
      tpu.wait_dma2 semaphore(%run_scoped3A : memref<!tpu.dma_semaphore, #tpu.memory_space<semaphore_mem>>) src(%arg5 : memref<3x16xf32, #tpu.memory_space<vmem>>) dst(%dma_wait3A_164 : memref<3x16xf32, #tpu.memory_space<hbm>>)
      tpu.yield
    }) : () -> ()
    return
  }
}

module attributes {stable_mosaic.version = 14 : i64} {
  func.func @_tc_body(%arg0: memref<3x8x64xf32, #tpu.memory_space<vmem>>, %arg1: memref<8x3xf32, #tpu.memory_space<vmem>>) attributes {dimension_semantics = [], scalar_prefetch = 0 : i64, scratch_operands = 0 : i64, tpu.core_type = #tpu.core_type<tc>} {
    %get3A = arith.constant 0 : index
    %get3A_0 = arith.constant 0 : index
    %get3A_1 = arith.constant 0 : index
    %get3A_2 = vector.load %arg0[%get3A, %get3A_0, %get3A_1] : memref<3x8x64xf32, #tpu.memory_space<vmem>>, vector<1x8x64xf32>
    %get3A_3 = vector.shape_cast %get3A_2 : vector<1x8x64xf32> to vector<8x64xf32>
    %reduce_sum3A = arith.constant dense<0.000000e+00> : vector<8xf32>
    %reduce_sum3A_4 = vector.multi_reduction <add>, %get3A_3, %reduce_sum3A [1] : vector<8x64xf32> to vector<8xf32>
    %broadcast_in_dim3A = vector.shape_cast %reduce_sum3A_4 : vector<8xf32> to vector<8x1xf32>
    %get3A_5 = arith.constant 1 : index
    %get3A_6 = arith.constant 0 : index
    %get3A_7 = arith.constant 0 : index
    %get3A_8 = vector.load %arg0[%get3A_5, %get3A_6, %get3A_7] : memref<3x8x64xf32, #tpu.memory_space<vmem>>, vector<1x8x64xf32>
    %get3A_9 = vector.shape_cast %get3A_8 : vector<1x8x64xf32> to vector<8x64xf32>
    %reduce_sum3A_10 = arith.constant dense<0.000000e+00> : vector<8xf32>
    %reduce_sum3A_11 = vector.multi_reduction <add>, %get3A_9, %reduce_sum3A_10 [1] : vector<8x64xf32> to vector<8xf32>
    %broadcast_in_dim3A_12 = vector.shape_cast %reduce_sum3A_11 : vector<8xf32> to vector<8x1xf32>
    %get3A_13 = arith.constant 2 : index
    %get3A_14 = arith.constant 0 : index
    %get3A_15 = arith.constant 0 : index
    %get3A_16 = vector.load %arg0[%get3A_13, %get3A_14, %get3A_15] : memref<3x8x64xf32, #tpu.memory_space<vmem>>, vector<1x8x64xf32>
    %get3A_17 = vector.shape_cast %get3A_16 : vector<1x8x64xf32> to vector<8x64xf32>
    %reduce_sum3A_18 = arith.constant dense<0.000000e+00> : vector<8xf32>
    %reduce_sum3A_19 = vector.multi_reduction <add>, %get3A_17, %reduce_sum3A_18 [1] : vector<8x64xf32> to vector<8xf32>
    %broadcast_in_dim3A_20 = vector.shape_cast %reduce_sum3A_19 : vector<8xf32> to vector<8x1xf32>
    %iota3A = tpu.iota {dimensions = array<i32: 1>} : vector<8x3xi32>
    %eq3A = arith.constant 0 : i32
    %eq3A_21 = vector.broadcast %eq3A : i32 to vector<8x3xi32>
    %eq3A_22 = arith.cmpi eq, %iota3A, %eq3A_21 : vector<8x3xi32>
    %jit3A = arith.constant 0.000000e+00 : f32
    %broadcast_in_dim3A_23 = vector.shape_cast %broadcast_in_dim3A : vector<8x1xf32> to vector<8x1xf32>
    %broadcast_in_dim3A_24 = vector.broadcast %broadcast_in_dim3A_23 : vector<8x1xf32> to vector<8x3xf32>
    %broadcast_in_dim3A_25 = vector.broadcast %jit3A : f32 to vector<8x3xf32>
    %select_n3A = arith.select %eq3A_22, %broadcast_in_dim3A_24, %broadcast_in_dim3A_25 : vector<8x3xi1>, vector<8x3xf32>
    %eq3A_26 = arith.constant 1 : i32
    %eq3A_27 = vector.broadcast %eq3A_26 : i32 to vector<8x3xi32>
    %eq3A_28 = arith.cmpi eq, %iota3A, %eq3A_27 : vector<8x3xi32>
    %jit3A_29 = arith.constant 0.000000e+00 : f32
    %broadcast_in_dim3A_30 = vector.shape_cast %broadcast_in_dim3A_12 : vector<8x1xf32> to vector<8x1xf32>
    %broadcast_in_dim3A_31 = vector.broadcast %broadcast_in_dim3A_30 : vector<8x1xf32> to vector<8x3xf32>
    %broadcast_in_dim3A_32 = vector.broadcast %jit3A_29 : f32 to vector<8x3xf32>
    %select_n3A_33 = arith.select %eq3A_28, %broadcast_in_dim3A_31, %broadcast_in_dim3A_32 : vector<8x3xi1>, vector<8x3xf32>
    %add3A = arith.addf %select_n3A, %select_n3A_33 : vector<8x3xf32>
    %eq3A_34 = arith.constant 2 : i32
    %eq3A_35 = vector.broadcast %eq3A_34 : i32 to vector<8x3xi32>
    %eq3A_36 = arith.cmpi eq, %iota3A, %eq3A_35 : vector<8x3xi32>
    %jit3A_37 = arith.constant 0.000000e+00 : f32
    %broadcast_in_dim3A_38 = vector.shape_cast %broadcast_in_dim3A_20 : vector<8x1xf32> to vector<8x1xf32>
    %broadcast_in_dim3A_39 = vector.broadcast %broadcast_in_dim3A_38 : vector<8x1xf32> to vector<8x3xf32>
    %broadcast_in_dim3A_40 = vector.broadcast %jit3A_37 : f32 to vector<8x3xf32>
    %select_n3A_41 = arith.select %eq3A_36, %broadcast_in_dim3A_39, %broadcast_in_dim3A_40 : vector<8x3xi1>, vector<8x3xf32>
    %add3A_42 = arith.addf %add3A, %select_n3A_41 : vector<8x3xf32>
    %swap3A = arith.constant 0 : index
    %swap3A_43 = arith.constant 0 : index
    %swap3A_44 = vector.load %arg1[%swap3A, %swap3A_43] : memref<8x3xf32, #tpu.memory_space<vmem>>, vector<8x3xf32>
    tpu.vector_store %arg1[%swap3A, %swap3A_43], %add3A_42 {strides = array<i32>} : memref<8x3xf32, #tpu.memory_space<vmem>>, vector<8x3xf32>,
    return
  }
}

</mosaic_0001>

<sc_bundles>
// kernel: kernel.4.cloned.1.call-start
scs
__scs_entry_jumppad:
0x0: {  	(pc) =	sbr.rel $0x88, $3  }
0x1: {  	(tag) =	ssettag $0x0;
	lr =	simm.s32 $0x1  }
0x2: {  	[smem:$0x3F9C] =	sst lr;
	_ =	strace $0xD0000000  }
0x3: {  	_ = 	snop  }
0x4: {  	_ = 	snop  }
0x5: {  	_ = 	snop  }
0x6: {  	_ = 	snop  }
0x7: {  	_ = 	snop  }
__scs_overlays_trampoline_lowered:
0x8: {  	[smem:$0x3FAB] =	sst s0  }
0x9: {  	[smem:$0x3FAC] =	sst s1  }
0xa: {  	[smem:$0x3FAD] =	sst s2  }
0xb: {  	[smem:$0x3FAE] =	sst s3  }
0xc: {  	[smem:$0x3FAF] =	sst s4  }
0xd: {  	[smem:$0x3FB0] =	sst s5  }
0xe: {  	[smem:$0x3FB1] =	sst s6  }
0xf: {  	[smem:$0x3FB2] =	sst s7  }
0x10: {  	[smem:$0x3FB3] =	sst s8  }
0x11: {  	[smem:$0x3FB4] =	sst s9;
	s0 =	simm.s32 @!p0 $0x0  }
0x12: {  	s1 =	sld [smem:$0x3F9A];
	s0 =	simm.s32 @p0 $0x1  }
0x13: {  	[smem:$0x3FB5] =	sst s0;
	s0 =	simm.s32 @!p1 $0x0  }
0x14: {  	s2 =	sld [smem:$0x3F99];
	s0 =	simm.s32 @p1 $0x1  }
0x15: {  	[smem:$0x3FB6] =	sst s0;
	s0 =	simm.s32 @!p2 $0x0  }
0x16: {  	s3 =	sld [smem:$0x3FDB];
	s0 =	simm.s32 @p2 $0x1  }
0x17: {  	s4 =	simm.s32 $0x1BF5;
	[smem:$0x3FB8] =	sst s0  }
0x18: {  	s0 =	sld [smem:$0x3F9B];
	_ =	swait.ge [sflag:s4], $0x0  }
0x19: {  	s7 =	sld [smem:$0x3F9C]  }
0x1a: {  	s8 =	sadd.s32 $0xFFFFE003, lr  }
0x1b: {  	s9 =	sadd.s32 $0xFFFFFEF7, lr;
	s5 =	simm.s32 $0xFFFFFFFF;
	p2 =	slt.u32 s8, $0xFFFFF086  }
0x1c: {  	p1 =	slt.u32 s9, $0xF7A;
	s5 =	simm.s32 @!p2 $0x0  }
0x1d: {  	s5 =	simm.s32 @p1 $0x1;
	p0 =	seq.s32 s7, s2  }
0x1e: {  	s7 =	smul.u32 @!p0 $0xF7A, s2;
	p2 =	seq.s32 @!p0 s5, $0x0  }
0x1f: {  	s9 =	smul.u32 $0xF7A, s1;
	s8 =	simm.s32 @!p0 $0x1BF5;
	p2 =	por !p2, p0  }
0x20: {  	[sflag:s8] =	ssyncset.s32 @!p0 $0xFFFFF086;
	s6 =	sadd.s32 @!p0 s3, s7;
	s7 =	simm.s32 @!p0 $0x108  }
0x21: {  	s3 =	sadd.s32 s3, s9;
	s6 =	sadd.s32 @!p0 $0x88, s6;
	s7 =	simm.s32 @p2 $0x1082  }
0x22: {  	[simem:s7], [sflag:s8] =	dma.local @!p0 [hbm:s6], $0xF7A  }
0x23: {  	s9 =	sor.u32 $0xD0000000, s2;
	s6 =	simm.s32 $0x108;
	_ =	swait.ge @!p0 [sflag:s8], $0x0  }
0x24: {  	s3 =	sadd.s32 $0x88, s3;
	s6 =	simm.s32 @!p1 $0x1082;
	[sflag:s4] =	ssyncset.s32 $0xFFFFF086  }
0x25: {  	[simem:s6], [sflag:s4] =	dma.local [hbm:s3], $0xF7A  }
0x26: {  	[smem:$0x3F9C] =	sst s1;
	(tag) =	ssettag s2;
	_ =	strace s9  }
0x27: {  	s1 =	sld [smem:$0x3FAC]  }
0x28: {  	s2 =	sld [smem:$0x3FAD]  }
0x29: {  	s4 =	sld [smem:$0x3FAF]  }
0x2a: {  	p0 =	seq.s32 s5, $0x0;
	s5 =	sld [smem:$0x3FB0]  }
0x2b: {  	s6 =	sld [smem:$0x3FB1]  }
0x2c: {  	s7 =	sld [smem:$0x3FB2]  }
0x2d: {  	s3 =	simm.s32 $0x108;
	s8 =	sld [smem:$0x3FB3]  }
0x2e: {  	s3 =	simm.s32 @!p0 $0x1082;
	s9 =	sld [smem:$0x3FB4]  }
0x2f: {  	lr =	sadd.s32 s0, s3;
	s0 =	sld [smem:$0x3FAB]  }
0x30: {  	s3 =	sld [smem:$0x3FAE]  }
0x31: {  	[smem:$0x3FB7] =	sst s10  }
0x32: {  	s10 =	sld [smem:$0x3FB5];
	_ =	sdelay $0x3  }
0x33: {  	p0 =	seq.s32 s10, $0x1;
	s10 =	sld [smem:$0x3FB7];
	_ =	sdelay $0x3  }
0x34: {  	[smem:$0x3FB7] =	sst s10  }
0x35: {  	s10 =	sld [smem:$0x3FB6];
	_ =	sdelay $0x3  }
0x36: {  	p1 =	seq.s32 s10, $0x1;
	s10 =	sld [smem:$0x3FB7];
	_ =	sdelay $0x3  }
0x37: {  	[smem:$0x3FB7] =	sst s10  }
0x38: {  	s10 =	sld [smem:$0x3FB8]  }
0x39: {  	_ = 	snop;
	(pc) =	sbr.ind lr, $3  }
0x3a: {  	_ = 	snop  }
0x3b: {  	_ = 	snop  }
0x3c: {  	p2 =	seq.s32 s10, $0x1;
	s10 =	sld [smem:$0x3FB7]  }
0x3d: {  	_ =	shalt  }
0x3e: {  	_ =	shalt  }
0x3f: {  	_ =	shalt  }
0x40: {  	_ =	shalt  }
0x41: {  	_ =	shalt  }
0x42: {  	_ =	shalt  }
0x43: {  	_ =	shalt  }
0x44: {  	_ =	shalt  }
0x45: {  	_ =	shalt  }
0x46: {  	_ =	shalt  }
0x47: {  	_ =	shalt  }
0x48: {  	_ =	shalt  }
0x49: {  	_ =	shalt  }
0x4a: {  	_ =	shalt  }
0x4b: {  	_ =	shalt  }
0x4c: {  	_ =	shalt  }
0x4d: {  	_ =	shalt  }
0x4e: {  	_ =	shalt  }
0x4f: {  	_ =	shalt  }
0x50: {  	_ =	shalt  }
0x51: {  	_ =	shalt  }
0x52: {  	_ =	shalt  }
0x53: {  	_ =	shalt  }
0x54: {  	_ =	shalt  }
0x55: {  	_ =	shalt  }
0x56: {  	_ =	shalt  }
0x57: {  	_ =	shalt  }
0x58: {  	_ =	shalt  }
0x59: {  	_ =	shalt  }
0x5a: {  	_ =	shalt  }
0x5b: {  	_ =	shalt  }
0x5c: {  	_ =	shalt  }
0x5d: {  	_ =	shalt  }
0x5e: {  	_ =	shalt  }
0x5f: {  	_ =	shalt  }
0x60: {  	_ =	shalt  }
0x61: {  	_ =	shalt  }
0x62: {  	_ =	shalt  }
0x63: {  	_ =	shalt  }
0x64: {  	_ =	shalt  }
0x65: {  	_ =	shalt  }
0x66: {  	_ =	shalt  }
0x67: {  	_ =	shalt  }
0x68: {  	_ =	shalt  }
0x69: {  	_ =	shalt  }
0x6a: {  	_ =	shalt  }
0x6b: {  	_ =	shalt  }
0x6c: {  	_ =	shalt  }
0x6d: {  	_ =	shalt  }
0x6e: {  	_ =	shalt  }
0x6f: {  	_ =	shalt  }
0x70: {  	_ =	shalt  }
0x71: {  	_ =	shalt  }
0x72: {  	_ =	shalt  }
0x73: {  	_ =	shalt  }
0x74: {  	_ =	shalt  }
0x75: {  	_ =	shalt  }
0x76: {  	_ =	shalt  }
0x77: {  	_ =	shalt  }
0x78: {  	_ =	shalt  }
0x79: {  	_ =	shalt  }
0x7a: {  	_ =	shalt  }
0x7b: {  	_ =	shalt  }
0x7c: {  	_ =	shalt  }
0x7d: {  	_ =	shalt  }
0x7e: {  	_ =	shalt  }
0x7f: {  	_ =	shalt  }
0x80: {  	_ =	shalt  }
0x81: {  	_ =	shalt  }
0x82: {  	_ =	shalt  }
0x83: {  	_ =	shalt  }
0x84: {  	_ =	shalt  }
0x85: {  	_ =	shalt  }
0x86: {  	_ =	shalt  }
0x87: {  	_ =	shalt  }
.Lfunc_end0:
.L_simem_size_0:
called_computation_lowered:
.L_overlay_start_0:
0x88: {  	s2 =	sld [smem:$0x3FD9]  }
0x89: {  	s3 =	sld [smem:$0x3FFE];
	_ =	sdelay $0x1  }
0x8a: {  	s1 =	srdreg.scid  }
0x8b: {  	s0 =	sand.u32 $0x1, s1  }
0x8c: {  	s16 =	sshll.u32 s0, $0xA;
	s2 =	sadd.s32 s3, s2  }
0x8d: {  	s2 =	sadd.s32 s2, s16  }
0x8e: {  	[smem:$0x3FC3] =	sst s2  }
0x8f: {  	_ = 	snop  }
0x90: {  	(tm) =	ssettm $0x1  }
0x91: {  	s17 =	sld [smem:$0x3FFB];
	_ =	sdelay $0x3  }
0x92: {  	_ =	strace s17  }
0x93: {  	s2 =	sld [smem:$0x3FFC];
	_ =	sdelay $0x3  }
0x94: {  	_ =	strace s2  }
0x95: {  	s2 =	sld [smem:$0x3FFD];
	_ =	sdelay $0x3  }
0x96: {  	_ =	strace s2  }
0x97: {  	_ =	strace $0x8FFFFFFF  }
0x98: {  	s18 =	sld [smem:$0x3FDB];
	_ =	sdelay $0x1  }
0x99: {  	s19 =	simm.s32 $_scs_section_size  }
0x9a: {  	s4 =	simm.s32 $_size__tile_overlayer_lowered;
	s5 =	simm.s32 $_tile_overlayer_lowered  }
0x9b: {  	s22 =	simm.s32 $0x1BFF;
	s21 =	sshll.u32 s5, $0x1;
	s2 =	sadd.s32 s19, s18  }
0x9c: {  	s6 =	simm.s32 $0x0;
	s20 =	sshll.u32 s4, $0x1;
	s4 =	sadd.s32 s21, s2  }
0x9d: {  	[timem:s6], [sflag:s22] =	dma.local [hbm:s4], s20  }
0x9e: {  	_ =	swait.ge [sflag:s22], s20  }
0x9f: {  	s3 =	ssub.s32 $0x0, s20;
	[sflag:s22] =	ssyncset.done $0x0  }
0xa0: {  	[sflag:s22] =	ssyncadd.s32 s3;
	_ =	sdelay $0x1  }
0xa1: {  	s23 =	simm.s32 $0x1B8B  }
0xa2: {  	_ =	swait.ge [sflag:s23], $0x1  }
0xa3: {  	[sflag:s23] =	ssyncset.done $0x0  }
0xa4: {  	s25 =	simm.s32 $0x1B8E;
	s24 =	sld [smem:$0x3FFE];
	[sflag:s23] =	ssyncadd.s32 $0xFFFFFFFF  }
0xa5: {  	s26 =	simm.s32 $execute0_lowered;
	[smem:$0x3FD2] =	sst s25  }
0xa6: {  	s4 =	sshll.u32 s26, $0x1;
	_ =	strace $0x80000046;
	[dreg:$0x1] =	wrdreg $0xFFFFFFFF  }
0xa7: {  	s28 =	simm.s32 $_size_execute0_lowered;
	s2 =	sadd.s32 s2, s4;
	[dreg:$0x0] =	wrdreg $0x0  }
0xa8: {  	s4 =	sshll.u32 s28, $0x1;
	[dreg:$0x2] =	wrdreg s2  }
0xa9: {  	[dreg:$0x3] =	wrdreg s4  }
0xaa: {  	[dreg:$0x4] =	wrdreg $0xC0  }
0xab: {  	_ =	task [dreg:s6], $0x5FFFF  }
0xac: {  	[dreg:$0x1] =	wrdreg $0xFFFFFFFF  }
0xad: {  	[dreg:$0x0] =	wrdreg $0x60  }
0xae: {  	[dreg:$0x2] =	wrdreg s24  }
0xaf: {  	[dreg:$0x3] =	wrdreg $0x9  }
0xb0: {  	_ =	task.clear_ibuf [dreg:s6], $0x4FFFF;
	_ =	strace $0x90000046  }
0xb1: {  	s29 =	simm.s32 $0x9;
	_ =	strace $0x80000048  }
0xb2: {  	_ =	swait.ge [sflag:s29], $0x1  }
0xb3: {  	[sflag:s29] =	ssyncadd.s32 $0xFFFFFFFF  }
0xb4: {  	_ =	strace $0x90000048  }
0xb5: {  	_ =	sfence  }
0xb6: {  	s30 =	sld [smem:$0x0];
	_ =	sdelay $0x2  }
0xb7: {  	s31 =	sshll.u32 s1, $0xD;
	s1 =	sshrl.u32 s1, $0x2  }
0xb8: {  	s3 =	sand.u32 $0x4000, s31;
	s1 =	sadd.s32 s1, s30  }
0xb9: {  	s0 =	sor.u32 s3, s0;
	s1 =	sshll.u32 s1, $0x11  }
0xba: {  	s0 =	sor.u32 s1, s0  }
0xbb: {  	s0 =	sadd.s32 $0x8F2B, s0  }
0xbc: {  	[sflag:s0] =	ssyncadd.remote.s32 $0x1  }
0xbd: {  	_ =	sfence.sel $0xFFFF  }
0xbe: {  	[dreg:$0x0] =	wrdreg $0xFFFFFFFF;
	(pc) =	sbr.abs _section_cstart, $3  }
0xbf: {  	[dreg:$0x1] =	wrdreg $0xFFFFFFFF  }
0xc0: {  	_ =	task.clear_ibuf [dreg:s6], $0x2FFFF;
	_ =	strace $0x9FFFFFFF  }
0xc1: {  	(tm) =	ssettm $0x7FFFFFFF  }
tec
execute0_lowered:
.L_overlay_start_1:
0x0: {  	(tag) =	ssettag $0x1  }
0x1: {  	s3 =	rddreg [dreg:$0x0]  }
0x2: {  	s0 =	rddreg [dreg:$0x1];
	s2 =	simm.s32 $0x0;
	s1 =	stileid.u32  }
0x3: {  	s5 =	srdreg.scid;
	s12 =	simm.s32 $0x3E8;
	s14 =	simm.s32 $0x333  }
0x4: {  	[smem:$0x7FF] =	sst s2;
	s4 =	sshrl.u32 s1, $0x1;
	s6 =	sshll.u32 s1, $0x1  }
0x5: {  	s8 =	sand.u32 $0x1, s5;
	s23 =	sand.u32 $0x1, s1;
	_ =	strace $0x80000047  }
0x6: {  	s7 =	sshll.u32 s4, $0x3;
	s20 =	sand.u32 $0x2, s6;
	s9 =	smul.u32 $0x7500, s4  }
0x7: {  	s21 =	ssub.s32 $0x2, s8;
	p0 =	seq.s32 s4, $0x1;
	s24 =	smul.u32 $0x2C0, s23  }
0x8: {  	p1 =	seq.s32 s4, $0x2;
	p2 =	seq.s32 s4, $0x4;
	s26 =	smul.u32 $0x160, s8  }
0x9: {  	p3 =	seq.s32 s4, $0x5;
	p4 =	seq.s32 s4, $0x6;
	s28 =	smul.u32 $0x1C0, s23  }
0xa: {  	s22 =	sadd.s32 $0xFFFFFFFF, s4;
	s15 =	smul.u32 $0xE0, s8;
	s29 =	sshll.u32 s23, $0x9  }
0xb: {  	s5 =	sor.u32 s8, s20;
	s7 =	sadd.s32 s7, s3;
	s11 =	sshrl.u32 s21, $0x1  }
0xc: {  	s12 =	simm.s32 @!p0 $0x320;
	p0 =	seq.s32 s4, $0x3;
	s8 =	sshll.u32 s8, $0x8  }
0xd: {  	s10 =	smul.u32 $0x1D40, s5;
	s6 =	ssub.s32 s21, s11;
	s13 =	smov.u32 s12  }
0xe: {  	s12 =	simm.s32 @p1 $0x400;
	s25 =	sshll.u32 s5, $0x1;
	s30 =	sadd.s32 s26, s24  }
0xf: {  	s8 =	sor.u32 s8, s29;
	s31 =	sadd.s32 s15, s28;
	s11 =	simm.s32 $0x200  }
0x10: {  	s13 =	simm.s32 @p1 $0x4B0;
	s12 =	simm.s32 @p0 $0x258;
	p1 =	seq.s32 s4, $0x7  }
0x11: {  	s4 =	sadd.s32 $0xFFFFFFFC, s4;
	s5 =	smax.u32 s6, $0x1;
	s6 =	sor.u32 $0x10, s30  }
0x12: {  	s9 =	sadd.s32 s9, s10;
	s13 =	simm.s32 @p0 $0x258;
	s12 =	simm.s32 @p2 $0x400  }
0x13: {  	s10 =	simm.s32 $0x10;
	s9 =	sshrl.u32 s9, $0x3;
	s13 =	simm.s32 @p2 $0x555  }
0x14: {  	s12 =	simm.s32 @p3 $0x384;
	p2 =	slt.u32 s22, $0x2;
	s3 =	sadd.s32 s3, s9  }
0x15: {  	s13 =	simm.s32 @p3 $0x384;
	s12 =	simm.s32 @p4 $0x400;
	s14 =	simm.s32 @!p2 $0x320  }
0x16: {  	s9 =	simm.s32 $0x1;
	s13 =	simm.s32 @p4 $0x44C;
	s12 =	simm.s32 @p1 $0x2BC  }
0x17: {  	v0 =	vlaneseq.u32;
	s14 =	simm.s32 @p0 $0x258;
	p0 =	slt.u32 s4, $0x3;
	s4 =	sadd.s32 s25, s7  }
0x18: {  	v3 =	vmul.u32 $0xFFFFFFFF, v0;
	s7 =	sor.u32 $0x10, s8;
	s8 =	sor.u32 $0x10, s31;
	s14 =	simm.s32 @p0 $0x333  }
0x19: {  	s13 =	simm.s32 @p1 $0x2BC;
	s4 =	sadd.s32 $0x7600, s4;
	s14 =	simm.s32 @p1 $0x2BC  }
0x1a: {  	v2 =	vmov s12;
	s12 =	simm.s32 $0x1D40;
	v1 =	vmov s13;
	s13 =	simm.s32 $0x2;
	v3 =	vadd.s32 s14, v3;
	s14 =	simm.s32 $0x0  }
.LBB2_1:
0x1b: {  	[tilespmem:s2], [sflag:$0x1] =	stream.linear.gather [hbm4b:s3+s2], $0x1D40, $0x38;
	[tilespmem:$0x1D70] =	vst v63  }
0x1c: {  	_ =	swait.ge [sflag:s9], $0x1D40  }
0x1d: {  	[sflag:s9] =	ssyncset.done $0x0  }
0x1e: {  	s15 =	simm.s32 $0x12D0;
	[sflag:s9] =	ssyncadd.s32 $0xFFFFE2C0  }
0x1f: {  	v4 =	vld [tilespmem:s15+$0xFFFFFD40]  }
0x20: {  	v5 =	vld [tilespmem:s15+$0xFFFFFEA0]  }
0x21: {  	v6 =	vld [tilespmem:s15+$0xFFFFFD30]  }
0x22: {  	v7 =	vld [tilespmem:s15+$0xFFFFFE90];
	_ =	sdelay $0x3  }
0x23: {  	v9 =	vadd.s32 $0x1, v4  }
0x24: {  	v8 =	vadd.s32 $0x2, v4;
	v10 =	vadd.s32 $0x1, v5;
	v4 =	vld.idx.msk [tilespmem:v4+s2+$0x0], $0xffff  }
0x25: {  	v13 =	vadd.s32 $0x1, v6;
	v11 =	vld.idx.msk [tilespmem:v5+s2+$0x0], $0xffff  }
0x26: {  	v15 =	vadd.s32 $0x1, v7;
	v12 =	vld.idx.msk [tilespmem:v6+s2+$0x0], $0xffff  }
0x27: {  	v14 =	vld.idx.msk [tilespmem:v7+s2+$0x0], $0xffff;
	v6 =	vadd.s32 $0x2, v6  }
0x28: {  	v7 =	vadd.s32 $0x2, v7;
	v9 =	vld.idx.msk [tilespmem:v9+s2+$0x0], $0xffff  }
0x29: {  	v10 =	vld.idx.msk [tilespmem:v10+s2+$0x0], $0xffff  }
0x2a: {  	v5 =	vadd.s32 $0x2, v5;
	v13 =	vld.idx.msk [tilespmem:v13+s2+$0x0], $0xffff  }
0x2b: {  	v15 =	vld.idx.msk [tilespmem:v15+s2+$0x0], $0xffff  }
0x2c: {  	v6 =	vld.idx.msk [tilespmem:v6+s2+$0x0], $0xffff  }
0x2d: {  	v7 =	vld.idx.msk [tilespmem:v7+s2+$0x0], $0xffff  }
0x2e: {  	v8 =	vld.idx.msk [tilespmem:v8+s2+$0x0], $0xffff  }
0x2f: {  	v5 =	vld.idx.msk [tilespmem:v5+s2+$0x0], $0xffff  }
0x30: {  	s16 =	simm.s32 $0x12F0;
	v12 =	vsub.f32 v12, v14;
	v13 =	vsub.f32 v13, v15  }
0x31: {  	v4 =	vsub.f32 v4, v11;
	v9 =	vsub.f32 v9, v10;
	v10 =	vld [tilespmem:s16+$0xFFFFFEA0]  }
0x32: {  	v11 =	vmul.f32 v12, v12;
	v6 =	vsub.f32 v6, v7;
	v7 =	vmul.f32 v13, v13  }
0x33: {  	v4 =	vmul.f32 v4, v4;
	v9 =	vmul.f32 v9, v9  }
0x34: {  	v5 =	vsub.f32 v8, v5;
	v8 =	vld [tilespmem:s16+$0xFFFFFD40];
	v7 =	vadd.f32 v7, v11;
	v6 =	vmul.f32 v6, v6  }
0x35: {  	v4 =	vadd.f32 v9, v4;
	v9 =	vld [tilespmem:s16+$0xFFFFFE90]  }
0x36: {  	v11 =	vld [tilespmem:s16+$0xFFFFFD30];
	v5 =	vmul.f32 v5, v5;
	v15 =	vadd.s32 $0x2, v10;
	v6 =	vadd.f32 v6, v7;
	_ =	sdelay $0x1  }
0x37: {  	v12 =	vld [tilespmem:s15+$0xFFFFFFF0];
	v4 =	vadd.f32 v5, v4;
	v6 =	vadd.f32 $9.999999960e-13, v6  }
0x38: {  	v5 =	vld [tilespmem:s15+$0x0];
	v7 =	vadd.s32 $0x2, v8  }
0x39: {  	v18 =	vld.idx.msk [tilespmem:v10+s2+$0x0], $0xffff;
	v13 =	vadd.f32 $9.999999960e-13, v4;
	v4 =	vmul.f32 $5.000000000e-01, v6;
	v14 =	vshra.s32 v6, $0x1  }
0x3a: {  	v16 =	vadd.s32 $0x1, v8;
	v10 =	vadd.s32 $0x1, v10;
	v15 =	vld.idx.msk [tilespmem:v15+s2+$0x0], $0xffff;
	v14 =	vsub.s32 $0x5F3759DF, v14  }
0x3b: {  	v8 =	vld.idx.msk [tilespmem:v8+s2+$0x0], $0xffff;
	v17 =	vshra.s32 v13, $0x1;
	v19 =	vmul.f32 $5.000000000e-01, v13;
	v20 =	vmul.f32 v14, v4  }
0x3c: {  	v25 =	vadd.s32 $0x1, v9;
	v17 =	vsub.s32 $0x5F3759DF, v17;
	v23 =	vld.idx.msk [tilespmem:v9+s2+$0x0], $0xffff;
	v9 =	vadd.s32 $0x2, v9  }
0x3d: {  	v22 =	vadd.s32 $0x1, v11;
	v21 =	vld.idx.msk [tilespmem:v11+s2+$0x0], $0xffff;
	v24 =	vmul.f32 v17, v19;
	v20 =	vmul.f32 v14, v20  }
0x3e: {  	v7 =	vld.idx.msk [tilespmem:v7+s2+$0x0], $0xffff  }
0x3f: {  	v11 =	vadd.s32 $0x2, v11;
	v16 =	vld.idx.msk [tilespmem:v16+s2+$0x0], $0xffff;
	v24 =	vmul.f32 v17, v24;
	v20 =	vsub.f32 $1.500000000e+00, v20  }
0x40: {  	v10 =	vld.idx.msk [tilespmem:v10+s2+$0x0], $0xffff  }
0x41: {  	v24 =	vsub.f32 $1.500000000e+00, v24;
	v9 =	vld.idx.msk [tilespmem:v9+s2+$0x0], $0xffff;
	v14 =	vmul.f32 v14, v20  }
0x42: {  	v12 =	vshll.u32 v12, $0x1;
	v20 =	vld.idx.msk [tilespmem:v22+s2+$0x0], $0xffff  }
0x43: {  	v26 =	vadd.s32 $0x1C80, v12;
	v22 =	vld.idx.msk [tilespmem:v25+s2+$0x0], $0xffff;
	v17 =	vmul.f32 v17, v24;
	v55 =	vmul.f32 v14, v4  }
0x44: {  	v12 =	vadd.s32 $0x1C81, v12;
	s15 =	simm.s32 $0x1310;
	v5 =	vshll.u32 v5, $0x1;
	v8 =	vsub.f32 v8, v18;
	v11 =	vld.idx.msk [tilespmem:v11+s2+$0x0], $0xffff  }
0x45: {  	v10 =	vsub.f32 v16, v10;
	v16 =	vld [tilespmem:s15+$0xFFFFFD40];
	v57 =	vmul.f32 v17, v19;
	v18 =	vmul.f32 v55, v14  }
0x46: {  	v21 =	vsub.f32 v21, v23;
	v7 =	vsub.f32 v7, v15;
	v8 =	vmul.f32 v8, v8  }
0x47: {  	v23 =	vld [tilespmem:s15+$0xFFFFFE90];
	v10 =	vmul.f32 v10, v10;
	v15 =	vsub.f32 $1.500000000e+00, v18;
	v18 =	vmul.f32 v57, v17  }
0x48: {  	v21 =	vmul.f32 v21, v21;
	v7 =	vmul.f32 v7, v7;
	v20 =	vsub.f32 v20, v22  }
0x49: {  	v8 =	vadd.f32 v10, v8;
	v14 =	vmul.f32 v15, v14;
	v15 =	vsub.f32 $1.500000000e+00, v18  }
0x4a: {  	v9 =	vsub.f32 v11, v9;
	v58 =	vadd.s32 $0x2, v16;
	v11 =	vmul.f32 v20, v20  }
0x4b: {  	v59 =	vadd.s32 $0x1, v16;
	v4 =	vmul.f32 v14, v4;
	v15 =	vmul.f32 v15, v17  }
0x4c: {  	v12 =	vld.idx.msk [tilespmem:v12+s2+$0x0], $0xffff;
	v30 =	vadd.s32 $0x1, v23;
	v9 =	vmul.f32 v9, v9;
	v11 =	vadd.f32 v11, v21  }
0x4d: {  	s17 =	sadd.s32 $0xFFFFFFF0, s6;
	v20 =	vadd.s32 $0x1C81, v5;
	v18 =	vld [tilespmem:s15+$0xFFFFFEA0];
	v4 =	vmul.f32 v4, v14;
	v19 =	vmul.f32 v15, v19  }
0x4e: {  	v10 =	vld [tilespmem:s16+$0xFFFFFFF0];
	v7 =	vadd.f32 v7, v8;
	v21 =	vor.u32 s17, v0;
	v9 =	vadd.f32 v9, v11  }
0x4f: {  	v22 =	vld [tilespmem:s15+$0xFFFFFD30];
	v11 =	vadd.s32 $0x1C80, v5;
	v8 =	vsub.f32 $1.500000000e+00, v4;
	v19 =	vmul.f32 v19, v15  }
0x50: {  	v16 =	vld.idx.msk [tilespmem:v16+s2+$0x0], $0xffff;
	vm0 =	vlt.s32 v21, v1;
	v21 =	vor.u32 s6, v0;
	v5 =	vadd.f32 $9.999999960e-13, v9  }
0x51: {  	v9 =	vld.idx.msk [tilespmem:v26+s2+$0x0], $0xffff;
	v4 =	vadd.f32 $9.999999960e-13, v7;
	v7 =	vmul.f32 v8, v14;
	v14 =	vsub.f32 $1.500000000e+00, v19  }
0x52: {  	v27 =	vadd.s32 $0x2, v18;
	v29 =	vshra.s32 v5, $0x1;
	v19 =	vld.idx.msk [tilespmem:v20+s2+$0x0], $0xffff;
	v8 =	vmul.f32 $5.000000000e-01, v5  }
0x53: {  	v32 =	vld.idx.msk [tilespmem:v23+s2+$0x0], $0xffff;
	v28 =	vshra.s32 v4, $0x1;
	v6 =	vmul.f32 v7, v6;
	v14 =	vmul.f32 v14, v15  }
0x54: {  	v11 =	vld.idx.msk [tilespmem:v11+s2+$0x0], $0xffff;
	v28 =	vsub.s32 $0x5F3759DF, v28;
	v15 =	vsub.s32 $0x5F3759DF, v29;
	v7 =	vmul.f32 $5.000000000e-01, v4  }
0x55: {  	v17 =	vld [tilespmem:s16+$0x0];
	v29 =	vmul.f32 v15, v8;
	v6 =	vsub.f32 v6, v12;
	v12 =	vmul.f32 v14, v13  }
0x56: {  	vm15 =	vlt.s32 v21, v1;
	v21 =	vld.idx.msk [tilespmem:v30+s2+$0x0], $0xffff;
	v20 =	vadd.s32 $0x1, v18;
	v31 =	vmul.f32 v28, v7  }
0x57: {  	v18 =	vld.idx.msk [tilespmem:v18+s2+$0x0], $0xffff;
	v29 =	vmul.f32 v15, v29;
	v9 =	vmul.f32 v9, v6;
	v12 =	vsub.f32 v12, v19  }
0x58: {  	v23 =	vadd.s32 $0x2, v23;
	v27 =	vld.idx.msk [tilespmem:v27+s2+$0x0], $0xffff;
	v13 =	vadd.s32 $0x1, v22;
	v60 =	vmul.f32 v28, v31  }
0x59: {  	v19 =	vld.idx.msk [tilespmem:v58+s2+$0x0], $0xffff;
	v29 =	vsub.f32 $1.500000000e+00, v29;
	v6 =	vmul.f32 v9, v6;
	v9 =	vmul.f32 v11, v12  }
0x5a: {  	v56 =	vimm.f32 $0.0e+00;
	v14 =	vld.idx.msk [tilespmem:v22+s2+$0x0], $0xffff;
	v22 =	vadd.s32 $0x2, v22;
	v11 =	vsub.f32 $1.500000000e+00, v60  }
0x5b: {  	v26 =	vld.idx.msk [tilespmem:v59+s2+$0x0], $0xffff;
	v29 =	vmul.f32 v15, v29;
	v6 =	vnsel vm0, $0x0, v6;
	v9 =	vmul.f32 v9, v12  }
0x5c: {  	v61 =	vld.idx.msk [tilespmem:v20+s2+$0x0], $0xffff;
	v12 =	vshll.u32 v10, $0x1;
	v6 =	vadd.f32 v6, v56  }
0x5d: {  	v20 =	vld.idx.msk [tilespmem:v13+s2+$0x0], $0xffff;
	v13 =	vmul.f32 v28, v11;
	v15 =	vmul.f32 v29, v8;
	v9 =	vnsel vm15, $0x0, v9  }
0x5e: {  	v11 =	vshll.u32 v17, $0x1;
	v62 =	vsub.f32 v19, v27;
	v19 =	vld.idx.msk [tilespmem:v23+s2+$0x0], $0xffff;
	v6 =	vadd.f32 v9, v6  }
0x5f: {  	v9 =	vsub.f32 v16, v18;
	v17 =	vmul.f32 v15, v29;
	v18 =	vmul.f32 v13, v7;
	v15 =	vld.idx.msk [tilespmem:v22+s2+$0x0], $0xffff  }
0x60: {  	v14 =	vsub.f32 v14, v32;
	v10 =	vadd.s32 $0x1C80, v12;
	v12 =	vadd.s32 $0x1C81, v12  }
0x61: {  	v22 =	vsub.f32 v26, v61;
	v63 =	vsub.f32 $1.500000000e+00, v17;
	v18 =	vmul.f32 v18, v13  }
0x62: {  	v21 =	vsub.f32 v20, v21;
	v20 =	vmul.f32 v14, v14;
	v16 =	vmul.f32 v9, v9  }
0x63: {  	s18 =	simm.s32 $0x1330;
	s17 =	simm.s32 $0x4;
	s16 =	smov.u32 s6;
	v9 =	vld [tilespmem:s15+$0x0];
	v17 =	vmul.f32 v62, v62;
	v14 =	vmul.f32 v63, v29;
	v18 =	vsub.f32 $1.500000000e+00, v18  }
.LBB2_2:
0x64: {  	v23 =	vld [tilespmem:s18+$0xFFFFFD40];
	v15 =	vsub.f32 v15, v19;
	v19 =	vmul.f32 v21, v21;
	v21 =	vmul.f32 v22, v22  }
0x65: {  	v24 =	vadd.s32 $0x1C81, v11;
	s16 =	sadd.s32 $0x20, s16;
	v22 =	vld [tilespmem:s18+$0xFFFFFEA0];
	v8 =	vmul.f32 v14, v8;
	v13 =	vmul.f32 v18, v13  }
0x66: {  	s19 =	sadd.s32 $0xFFFFFFF0, s16;
	v18 =	vld [tilespmem:s15+$0xFFFFFFF0];
	v19 =	vadd.f32 v19, v20;
	v15 =	vmul.f32 v15, v15;
	v16 =	vadd.f32 v21, v16;
	s15 =	smov.u32 s18  }
0x67: {  	v21 =	vor.u32 s19, v0;
	v20 =	vld [tilespmem:s18+$0xFFFFFD30];
	v8 =	vmul.f32 v8, v14;
	v7 =	vmul.f32 v13, v7  }
0x68: {  	v11 =	vadd.s32 $0x1C80, v11;
	v25 =	vld [tilespmem:s18+$0xFFFFFE90];
	v15 =	vadd.f32 v15, v19;
	v16 =	vadd.f32 v17, v16  }
0x69: {  	v17 =	vadd.s32 $0x2, v23;
	v12 =	vld.idx.msk [tilespmem:v12+s2+$0x0], $0xffff;
	v8 =	vsub.f32 $1.500000000e+00, v8;
	v7 =	vmul.f32 v7, v13  }
0x6a: {  	v19 =	vadd.s32 $0x2, v22;
	v15 =	vadd.f32 $9.999999960e-13, v15;
	v16 =	vadd.f32 $9.999999960e-13, v16;
	v10 =	vld.idx.msk [tilespmem:v10+s2+$0x0], $0xffff  }
0x6b: {  	v26 =	vadd.s32 $0x1, v23;
	v14 =	vmul.f32 v8, v14;
	v24 =	vld.idx.msk [tilespmem:v24+s2+$0x0], $0xffff;
	v7 =	vsub.f32 $1.500000000e+00, v7  }
0x6c: {  	v27 =	vadd.s32 $0x1, v22;
	v23 =	vld.idx.msk [tilespmem:v23+s2+$0x0], $0xffff;
	v8 =	vmul.f32 $5.000000000e-01, v15;
	v28 =	vshra.s32 v16, $0x1  }
0x6d: {  	s17 =	sadd.s32 $0x2, s17;
	v29 =	vshra.s32 v15, $0x1;
	v14 =	vmul.f32 v14, v5;
	v11 =	vld.idx.msk [tilespmem:v11+s2+$0x0], $0xffff;
	v13 =	vmul.f32 v7, v13;
	v5 =	vmovc v15  }
0x6e: {  	p0 =	slt.u32 s17, $0x14;
	v15 =	vsub.s32 $0x5F3759DF, v29;
	v28 =	vsub.s32 $0x5F3759DF, v28;
	v7 =	vmul.f32 $5.000000000e-01, v16;
	v22 =	vld.idx.msk [tilespmem:v22+s2+$0x0], $0xffff  }
0x6f: {  	v30 =	vmul.f32 v15, v8;
	v29 =	vld.idx.msk [tilespmem:v20+s2+$0x0], $0xffff;
	v12 =	vsub.f32 v14, v12;
	v13 =	vmul.f32 v13, v4  }
0x70: {  	v32 =	vadd.s32 $0x1, v25;
	v14 =	vadd.s32 $0x1, v20;
	v33 =	vmul.f32 v28, v7;
	v4 =	vmovc v16;
	v31 =	vld.idx.msk [tilespmem:v25+s2+$0x0], $0xffff  }
0x71: {  	v16 =	vld.idx.msk [tilespmem:v17+s2+$0x0], $0xffff;
	v17 =	vmul.f32 v15, v30;
	v10 =	vmul.f32 v10, v12;
	v13 =	vsub.f32 v13, v24  }
0x72: {  	v20 =	vadd.s32 $0x2, v20;
	v24 =	vadd.s32 $0x2, v25;
	v25 =	vld.idx.msk [tilespmem:v19+s2+$0x0], $0xffff;
	v19 =	vmul.f32 v28, v33  }
0x73: {  	v26 =	vld.idx.msk [tilespmem:v26+s2+$0x0], $0xffff;
	v17 =	vsub.f32 $1.500000000e+00, v17;
	v10 =	vmul.f32 v10, v12;
	v11 =	vmul.f32 v11, v13  }
0x74: {  	vm0 =	vlt.s32 v21, v1;
	v27 =	vld.idx.msk [tilespmem:v27+s2+$0x0], $0xffff;
	v12 =	vsub.f32 $1.500000000e+00, v19;
	v19 =	vor.u32 s16, v0  }
0x75: {  	v14 =	vld.idx.msk [tilespmem:v14+s2+$0x0], $0xffff;
	v30 =	vmul.f32 v15, v17;
	v10 =	vnsel vm0, $0x0, v10;
	v11 =	vmul.f32 v11, v13  }
0x76: {  	v18 =	vshll.u32 v18, $0x1;
	vm0 =	vlt.s32 v19, v1;
	v17 =	vld.idx.msk [tilespmem:v32+s2+$0x0], $0xffff;
	v6 =	vadd.f32 v10, v6  }
0x77: {  	v13 =	vmul.f32 v28, v12;
	v15 =	vld.idx.msk [tilespmem:v20+s2+$0x0], $0xffff;
	v20 =	vmul.f32 v30, v8;
	v12 =	vnsel vm0, $0x0, v11  }
0x78: {  	v10 =	vadd.s32 $0x1C80, v18;
	v11 =	vshll.u32 v9, $0x1;
	v19 =	vld.idx.msk [tilespmem:v24+s2+$0x0], $0xffff;
	v6 =	vadd.f32 v12, v6  }
.Ltmp0:
0x79: {  	v9 =	vsub.f32 v23, v22;
	v21 =	vmul.f32 v13, v7;
	v20 =	vmul.f32 v20, v30;
	(pc) =	sbr.rel @p0 .LBB2_2-.Ltmp0, $4  }
0x7a: {  	v22 =	vsub.f32 v29, v31;
	v23 =	vsub.f32 v16, v25;
	v12 =	vadd.s32 $0x1C81, v18  }
0x7b: {  	v16 =	vmul.f32 v9, v9;
	v24 =	vmul.f32 v21, v13;
	v18 =	vsub.f32 $1.500000000e+00, v20  }
0x7c: {  	v21 =	vsub.f32 v14, v17;
	v20 =	vmul.f32 v22, v22;
	v22 =	vsub.f32 v26, v27  }
0x7d: {  	s18 =	sadd.s32 $0x20, s18;
	v17 =	vmul.f32 v23, v23;
	v9 =	vld [tilespmem:s15+$0x0];
	v14 =	vmul.f32 v18, v30;
	v18 =	vsub.f32 $1.500000000e+00, v24  }
0x7e: {  	v15 =	vsub.f32 v15, v19;
	v19 =	vmul.f32 v21, v21;
	_ =	sdelay $0x1  }
0x7f: {  	v21 =	vmul.f32 v22, v22;
	v19 =	vadd.f32 v19, v20;
	v15 =	vmul.f32 v15, v15;
	_ =	sdelay $0x1  }
0x80: {  	v16 =	vadd.f32 v21, v16;
	v15 =	vadd.f32 v15, v19;
	_ =	sdelay $0x1  }
0x81: {  	v16 =	vadd.f32 v17, v16;
	v15 =	vadd.f32 $9.999999960e-13, v15;
	_ =	sdelay $0x1  }
0x82: {  	v16 =	vadd.f32 $9.999999960e-13, v16;
	v17 =	vmul.f32 $5.000000000e-01, v15;
	v19 =	vshra.s32 v15, $0x1  }
0x83: {  	v19 =	vsub.s32 $0x5F3759DF, v19  }
0x84: {  	v20 =	vshra.s32 v16, $0x1;
	v21 =	vmul.f32 $5.000000000e-01, v16;
	v22 =	vmul.f32 v19, v17  }
0x85: {  	v20 =	vsub.s32 $0x5F3759DF, v20  }
0x86: {  	v23 =	vmul.f32 v20, v21;
	v22 =	vmul.f32 v19, v22;
	_ =	sdelay $0x1  }
0x87: {  	v23 =	vmul.f32 v20, v23;
	v22 =	vsub.f32 $1.500000000e+00, v22;
	_ =	sdelay $0x1  }
0x88: {  	v23 =	vsub.f32 $1.500000000e+00, v23;
	v19 =	vmul.f32 v19, v22;
	_ =	sdelay $0x1  }
0x89: {  	v20 =	vmul.f32 v20, v23;
	v22 =	vmul.f32 v19, v17  }
0x8a: {  	v8 =	vmul.f32 v14, v8;
	v13 =	vmul.f32 v18, v13  }
0x8b: {  	v23 =	vld [tilespmem:s15+$0xFFFFFFF0];
	v24 =	vmul.f32 v20, v21;
	v22 =	vmul.f32 v22, v19  }
0x8c: {  	v8 =	vmul.f32 v8, v14  }
0x8d: {  	v7 =	vmul.f32 v13, v7;
	v18 =	vsub.f32 $1.500000000e+00, v22;
	v22 =	vmul.f32 v24, v20  }
0x8e: {  	v8 =	vsub.f32 $1.500000000e+00, v8;
	v24 =	vadd.s32 $0x1C81, v11  }
0x8f: {  	v7 =	vmul.f32 v7, v13;
	v18 =	vmul.f32 v18, v19;
	v19 =	vsub.f32 $1.500000000e+00, v22  }
0x90: {  	v8 =	vmul.f32 v8, v14;
	v14 =	vshll.u32 v23, $0x1;
	v11 =	vadd.s32 $0x1C80, v11  }
0x91: {  	v12 =	vld.idx.msk [tilespmem:v12+s2+$0x0], $0xffff;
	v22 =	vadd.s32 $0x1C81, v14;
	v17 =	vmul.f32 v18, v17;
	v19 =	vmul.f32 v19, v20  }
0x92: {  	v10 =	vld.idx.msk [tilespmem:v10+s2+$0x0], $0xffff;
	v9 =	vshll.u32 v9, $0x1;
	v7 =	vsub.f32 $1.500000000e+00, v7;
	v14 =	vadd.s32 $0x1C80, v14  }
0x93: {  	v23 =	vadd.s32 $0x1C81, v9;
	v20 =	vld.idx.msk [tilespmem:v24+s2+$0x0], $0xffff;
	v17 =	vmul.f32 v17, v18;
	v21 =	vmul.f32 v19, v21  }
0x94: {  	v5 =	vmul.f32 v8, v5;
	v7 =	vmul.f32 v7, v13  }
0x95: {  	v9 =	vadd.s32 $0x1C80, v9;
	v8 =	vld.idx.msk [tilespmem:v11+s2+$0x0], $0xffff;
	v11 =	vsub.f32 $1.500000000e+00, v17;
	v13 =	vmul.f32 v21, v19  }
0x96: {  	v5 =	vsub.f32 v5, v12;
	v4 =	vmul.f32 v7, v4;
	v7 =	vld.idx.msk [tilespmem:v22+s2+$0x0], $0xffff  }
0x97: {  	v12 =	vld.idx.msk [tilespmem:v14+s2+$0x0], $0xffff;
	v11 =	vmul.f32 v11, v18;
	v13 =	vsub.f32 $1.500000000e+00, v13  }
0x98: {  	s29 =	sadd.s32 $0x20, s16;
	v10 =	vmul.f32 v10, v5;
	v14 =	vld.idx.msk [tilespmem:v23+s2+$0x0], $0xffff;
	v4 =	vsub.f32 v4, v20  }
0x99: {  	s16 =	sadd.s32 $0xFFFFFFF0, s29;
	v11 =	vmul.f32 v11, v15;
	v13 =	vmul.f32 v13, v19  }
0x9a: {  	v5 =	vmul.f32 v10, v5;
	v9 =	vld.idx.msk [tilespmem:v9+s2+$0x0], $0xffff;
	v15 =	vor.u32 s16, v0;
	v8 =	vmul.f32 v8, v4  }
0x9b: {  	vm0 =	vlt.s32 v15, v1;
	v7 =	vsub.f32 v11, v7;
	v10 =	vmul.f32 v13, v16  }
0x9c: {  	s15 =	sadd.s32 $0x20, s29;
	v11 =	vor.u32 s29, v0;
	v5 =	vnsel vm0, $0x0, v5  }
0x9d: {  	s30 =	sadd.s32 $0xFFFFFFF0, s15;
	v4 =	vmul.f32 v8, v4;
	v8 =	vmul.f32 v12, v7;
	v10 =	vsub.f32 v10, v14  }
0x9e: {  	vm13 =	vlt.s32 v11, v1;
	v5 =	vadd.f32 v5, v6;
	v6 =	vor.u32 s30, v0  }
0x9f: {  	v4 =	vnsel vm13, $0x0, v4;
	v7 =	vmul.f32 v8, v7;
	v8 =	vmul.f32 v9, v10  }
0xa0: {  	vm14 =	vlt.s32 v6, v1;
	v4 =	vadd.f32 v4, v5  }
0xa1: {  	v5 =	vor.u32 s15, v0;
	v6 =	vnsel vm14, $0x0, v7;
	v7 =	vmul.f32 v8, v10  }
0xa2: {  	vm15 =	vlt.s32 v5, v1;
	v4 =	vadd.f32 v6, v4  }
0xa3: {  	v5 =	vnsel vm15, $0x0, v7  }
0xa4: {  	v4 =	vadd.f32 v5, v4;
	_ =	sdelay $0x1  }
0xa5: {  	s31 =	simm.s32 $0x1730;
	[tilespmem:$0x1D40] =	vst v4  }
0xa6: {  	v4 =	vld [tilespmem:s31+$0xFFFFFF00]  }
0xa7: {  	v5 =	vld [tilespmem:s31+$0xFFFFFEF0]  }
0xa8: {  	v6 =	vld [tilespmem:s31+$0xFFFFFD00]  }
0xa9: {  	v7 =	vld [tilespmem:s31+$0xFFFFFE00]  }
0xaa: {  	v8 =	vld [tilespmem:s31+$0xFFFFFCF0]  }
0xab: {  	v9 =	vld [tilespmem:s31+$0xFFFFFDF0];
	_ =	sdelay $0x2  }
0xac: {  	v10 =	vld.idx.msk [tilespmem:v4+s2+$0x0], $0xffff  }
0xad: {  	v11 =	vadd.s32 $0x2, v4;
	v12 =	vld.idx.msk [tilespmem:v5+s2+$0x0], $0xffff  }
0xae: {  	v13 =	vadd.s32 $0x2, v5;
	v14 =	vld.idx.msk [tilespmem:v6+s2+$0x0], $0xffff  }
0xaf: {  	v15 =	vadd.s32 $0x2, v6;
	v16 =	vld.idx.msk [tilespmem:v7+s2+$0x0], $0xffff  }
0xb0: {  	v17 =	vadd.s32 $0x2, v7;
	v18 =	vld.idx.msk [tilespmem:v8+s2+$0x0], $0xffff  }
0xb1: {  	v20 =	vadd.s32 $0x2, v9;
	v19 =	vld.idx.msk [tilespmem:v9+s2+$0x0], $0xffff  }
0xb2: {  	v21 =	vadd.s32 $0x1, v8;
	v11 =	vld.idx.msk [tilespmem:v11+s2+$0x0], $0xffff  }
0xb3: {  	v4 =	vadd.s32 $0x1, v4;
	v13 =	vld.idx.msk [tilespmem:v13+s2+$0x0], $0xffff  }
0xb4: {  	v5 =	vadd.s32 $0x1, v5;
	v15 =	vld.idx.msk [tilespmem:v15+s2+$0x0], $0xffff  }
0xb5: {  	v9 =	vadd.s32 $0x1, v9;
	v17 =	vld.idx.msk [tilespmem:v17+s2+$0x0], $0xffff  }
0xb6: {  	v7 =	vadd.s32 $0x1, v7;
	v20 =	vld.idx.msk [tilespmem:v20+s2+$0x0], $0xffff  }
0xb7: {  	v6 =	vadd.s32 $0x1, v6;
	v21 =	vld.idx.msk [tilespmem:v21+s2+$0x0], $0xffff  }
0xb8: {  	v8 =	vadd.s32 $0x2, v8;
	v4 =	vld.idx.msk [tilespmem:v4+s2+$0x0], $0xffff  }
0xb9: {  	v5 =	vld.idx.msk [tilespmem:v5+s2+$0x0], $0xffff  }
0xba: {  	v9 =	vld.idx.msk [tilespmem:v9+s2+$0x0], $0xffff  }
0xbb: {  	v7 =	vld.idx.msk [tilespmem:v7+s2+$0x0], $0xffff;
	v10 =	vsub.f32 v10, v16  }
0xbc: {  	v12 =	vsub.f32 v12, v19;
	v18 =	vsub.f32 v18, v19;
	v6 =	vld.idx.msk [tilespmem:v6+s2+$0x0], $0xffff  }
0xbd: {  	v8 =	vld.idx.msk [tilespmem:v8+s2+$0x0], $0xffff;
	v14 =	vsub.f32 v14, v16;
	v11 =	vsub.f32 v11, v17  }
0xbe: {  	v13 =	vsub.f32 v13, v20;
	v16 =	vmul.f32 v12, v12;
	v15 =	vsub.f32 v15, v17  }
0xbf: {  	v17 =	vmul.f32 v10, v10;
	v19 =	vmul.f32 v14, v14;
	v5 =	vsub.f32 v5, v9  }
0xc0: {  	v22 =	vmul.f32 v18, v18;
	v4 =	vsub.f32 v4, v7;
	v9 =	vsub.f32 v21, v9  }
0xc1: {  	v24 =	vmul.f32 v11, v11;
	v6 =	vsub.f32 v6, v7;
	v7 =	vmul.f32 v5, v5  }
0xc2: {  	v8 =	vsub.f32 v8, v20;
	v20 =	vmul.f32 v4, v4;
	v23 =	vmul.f32 v9, v9  }
0xc3: {  	v21 =	vmul.f32 v13, v13;
	v25 =	vmul.f32 v6, v6;
	v7 =	vadd.f32 v7, v16  }
0xc4: {  	v16 =	vmul.f32 v8, v8;
	v17 =	vadd.f32 v20, v17;
	v20 =	vadd.f32 v23, v22  }
0xc5: {  	v22 =	vmul.f32 v15, v15;
	v19 =	vadd.f32 v25, v19;
	v7 =	vadd.f32 v21, v7  }
0xc6: {  	v17 =	vadd.f32 v24, v17;
	v16 =	vadd.f32 v16, v20  }
0xc7: {  	v19 =	vadd.f32 v22, v19;
	v7 =	vadd.f32 $9.999999960e-13, v7  }
0xc8: {  	v17 =	vadd.f32 $9.999999960e-13, v17;
	v16 =	vadd.f32 $9.999999960e-13, v16  }
0xc9: {  	v19 =	vadd.f32 $9.999999960e-13, v19;
	v20 =	vshra.s32 v7, $0x1  }
0xca: {  	v21 =	vshra.s32 v17, $0x1;
	v22 =	vshra.s32 v16, $0x1;
	v16 =	vmul.f32 $5.000000000e-01, v16  }
0xcb: {  	v23 =	vshra.s32 v19, $0x1;
	v19 =	vmul.f32 $5.000000000e-01, v19;
	v22 =	vsub.s32 $0x5F3759DF, v22  }
0xcc: {  	v7 =	vmul.f32 $5.000000000e-01, v7;
	v23 =	vsub.s32 $0x5F3759DF, v23;
	v24 =	vmul.f32 v22, v16  }
0xcd: {  	v17 =	vmul.f32 $5.000000000e-01, v17;
	v20 =	vsub.s32 $0x5F3759DF, v20;
	v25 =	vmul.f32 v23, v19  }
0xce: {  	v21 =	vsub.s32 $0x5F3759DF, v21;
	v26 =	vmul.f32 v20, v7;
	v24 =	vmul.f32 v22, v24  }
0xcf: {  	v27 =	vmul.f32 v21, v17;
	v25 =	vmul.f32 v23, v25  }
0xd0: {  	v26 =	vmul.f32 v20, v26;
	v24 =	vsub.f32 $1.500000000e+00, v24  }
0xd1: {  	v27 =	vmul.f32 v21, v27;
	v25 =	vsub.f32 $1.500000000e+00, v25  }
0xd2: {  	v26 =	vsub.f32 $1.500000000e+00, v26;
	v22 =	vmul.f32 v22, v24  }
0xd3: {  	v10 =	vmul.f32 v10, v14;
	v14 =	vsub.f32 $1.500000000e+00, v27;
	v23 =	vmul.f32 v23, v25  }
0xd4: {  	v20 =	vmul.f32 v20, v26;
	v24 =	vmul.f32 v22, v16  }
0xd5: {  	v14 =	vmul.f32 v21, v14;
	v21 =	vmul.f32 v23, v19  }
0xd6: {  	v25 =	vmul.f32 v20, v7;
	v24 =	vmul.f32 v24, v22  }
0xd7: {  	v26 =	vmul.f32 v14, v17;
	v21 =	vmul.f32 v21, v23  }
0xd8: {  	v12 =	vmul.f32 v12, v18;
	v18 =	vmul.f32 v25, v20;
	v24 =	vsub.f32 $1.500000000e+00, v24  }
0xd9: {  	v11 =	vmul.f32 v11, v15;
	v15 =	vmul.f32 v26, v14;
	v21 =	vsub.f32 $1.500000000e+00, v21  }
0xda: {  	v4 =	vmul.f32 v4, v6;
	v6 =	vsub.f32 $1.500000000e+00, v18;
	v18 =	vmul.f32 v24, v22  }
0xdb: {  	v5 =	vmul.f32 v5, v9;
	v9 =	vsub.f32 $1.500000000e+00, v15;
	v15 =	vmul.f32 v21, v23  }
0xdc: {  	v6 =	vmul.f32 v6, v20;
	v16 =	vmul.f32 v18, v16  }
0xdd: {  	v9 =	vmul.f32 v9, v14;
	v14 =	vmul.f32 v15, v19  }
0xde: {  	v7 =	vmul.f32 v6, v7;
	v16 =	vmul.f32 v16, v18  }
0xdf: {  	v5 =	vadd.f32 v5, v12;
	v12 =	vmul.f32 v9, v17;
	v14 =	vmul.f32 v14, v15  }
0xe0: {  	v8 =	vmul.f32 v13, v8;
	v7 =	vmul.f32 v7, v6;
	v13 =	vsub.f32 $1.500000000e+00, v16  }
0xe1: {  	v4 =	vadd.f32 v4, v10;
	v10 =	vmul.f32 v12, v9;
	v12 =	vsub.f32 $1.500000000e+00, v14  }
0xe2: {  	v5 =	vadd.f32 v8, v5;
	v7 =	vsub.f32 $1.500000000e+00, v7;
	v8 =	vmul.f32 v13, v18  }
0xe3: {  	v10 =	vsub.f32 $1.500000000e+00, v10;
	v12 =	vmul.f32 v12, v15  }
0xe4: {  	v4 =	vadd.f32 v11, v4;
	v6 =	vmul.f32 v7, v6;
	v5 =	vmul.f32 v8, v5  }
0xe5: {  	v7 =	vmul.f32 v10, v9  }
0xe6: {  	v4 =	vmul.f32 v12, v4;
	v5 =	vmul.f32 v6, v5;
	_ =	sdelay $0x1  }
0xe7: {  	s15 =	simm.s32 $0x1750;
	v4 =	vmul.f32 v7, v4;
	v5 =	vmax.f32 v5, $-9.999989860e-01  }
0xe8: {  	v9 =	vld [tilespmem:s15+$0xFFFFFD00];
	v5 =	vmin.f32 v5, $9.999989860e-01  }
0xe9: {  	v10 =	vld [tilespmem:s15+$0xFFFFFE00];
	v4 =	vmax.f32 v4, $-9.999989860e-01;
	v8 =	vmul.f32 v5, v5  }
0xea: {  	v13 =	vld [tilespmem:s15+$0xFFFFFDF0];
	v4 =	vmin.f32 v4, $9.999989860e-01  }
0xeb: {  	v12 =	vld [tilespmem:s15+$0xFFFFFCF0];
	v11 =	vmul.f32 v4, v4;
	v8 =	vsub.f32 $1.000000000e+00, v8  }
0xec: {  	v6 =	vld [tilespmem:s15+$0xFFFFFF00]  }
0xed: {  	v7 =	vld [tilespmem:s15+$0xFFFFFEF0];
	v11 =	vsub.f32 $1.000000000e+00, v11;
	v14 =	vshra.s32 v8, $0x1;
	v15 =	vmul.f32 $5.000000000e-01, v8  }
0xee: {  	v14 =	vsub.s32 $0x5F3759DF, v14  }
0xef: {  	v16 =	vshra.s32 v11, $0x1;
	v17 =	vmul.f32 $5.000000000e-01, v11;
	v18 =	vmul.f32 v14, v15  }
0xf0: {  	v24 =	vld.idx.msk [tilespmem:v9+s2+$0x0], $0xffff;
	v16 =	vsub.s32 $0x5F3759DF, v16  }
0xf1: {  	v30 =	vadd.s32 $0x2, v12;
	v26 =	vld.idx.msk [tilespmem:v10+s2+$0x0], $0xffff;
	v22 =	vmul.f32 v16, v17;
	v18 =	vmul.f32 v14, v18  }
0xf2: {  	v29 =	vld.idx.msk [tilespmem:v13+s2+$0x0], $0xffff;
	v20 =	vadd.s32 $0x2, v6  }
0xf3: {  	v25 =	vadd.s32 $0x2, v9;
	v28 =	vld.idx.msk [tilespmem:v12+s2+$0x0], $0xffff;
	v22 =	vmul.f32 v16, v22;
	v18 =	vsub.f32 $1.500000000e+00, v18  }
0xf4: {  	v27 =	vadd.s32 $0x2, v10;
	v19 =	vld.idx.msk [tilespmem:v6+s2+$0x0], $0xffff  }
0xf5: {  	v10 =	vadd.s32 $0x1, v10;
	v21 =	vld.idx.msk [tilespmem:v7+s2+$0x0], $0xffff;
	v14 =	vmul.f32 v14, v18;
	v18 =	vsub.f32 $1.500000000e+00, v22  }
0xf6: {  	v23 =	vadd.s32 $0x2, v7;
	v30 =	vld.idx.msk [tilespmem:v30+s2+$0x0], $0xffff  }
0xf7: {  	v20 =	vld.idx.msk [tilespmem:v20+s2+$0x0], $0xffff;
	v22 =	vadd.s32 $0x2, v13;
	v31 =	vmul.f32 v14, v15;
	v16 =	vmul.f32 v16, v18  }
0xf8: {  	v6 =	vadd.s32 $0x1, v6;
	v18 =	vld.idx.msk [tilespmem:v25+s2+$0x0], $0xffff  }
0xf9: {  	v7 =	vadd.s32 $0x1, v7;
	v25 =	vld.idx.msk [tilespmem:v27+s2+$0x0], $0xffff;
	v27 =	vmul.f32 v16, v17;
	v31 =	vmul.f32 v31, v14  }
0xfa: {  	v10 =	vld.idx.msk [tilespmem:v10+s2+$0x0], $0xffff;
	v13 =	vadd.s32 $0x1, v13  }
0xfb: {  	v23 =	vld.idx.msk [tilespmem:v23+s2+$0x0], $0xffff;
	v31 =	vsub.f32 $1.500000000e+00, v31;
	v27 =	vmul.f32 v27, v16  }
0xfc: {  	v9 =	vadd.s32 $0x1, v9;
	v12 =	vadd.s32 $0x1, v12;
	v21 =	vsub.f32 v21, v29;
	v22 =	vld.idx.msk [tilespmem:v22+s2+$0x0], $0xffff  }
0xfd: {  	v24 =	vsub.f32 v24, v26;
	v6 =	vld.idx.msk [tilespmem:v6+s2+$0x0], $0xffff;
	v31 =	vmul.f32 v31, v14;
	v14 =	vsub.f32 $1.500000000e+00, v27  }
0xfe: {  	v19 =	vsub.f32 v19, v26;
	v7 =	vld.idx.msk [tilespmem:v7+s2+$0x0], $0xffff;
	v26 =	vsub.f32 v20, v25;
	v20 =	vmul.f32 v21, v21  }
0xff: {  	v13 =	vld.idx.msk [tilespmem:v13+s2+$0x0], $0xffff;
	v32 =	vsub.f32 v18, v25;
	v15 =	vmul.f32 v31, v15;
	v16 =	vmul.f32 v14, v16  }
0x100: {  	v25 =	vmul.f32 v24, v24;
	v27 =	vsub.f32 v28, v29;
	v28 =	vmul.f32 v19, v19  }
0x101: {  	v9 =	vld.idx.msk [tilespmem:v9+s2+$0x0], $0xffff;
	v14 =	vsub.f32 v23, v22;
	v23 =	vmul.f32 v15, v31;
	v17 =	vmul.f32 v16, v17  }
0x102: {  	v18 =	vsub.f32 v6, v10;
	v33 =	vmul.f32 v32, v32;
	v32 =	vmul.f32 v26, v32  }
0x103: {  	v12 =	vld.idx.msk [tilespmem:v12+s2+$0x0], $0xffff;
	v15 =	vsub.f32 v30, v22;
	v6 =	vsub.f32 $1.500000000e+00, v23;
	v22 =	vmul.f32 v17, v16  }
0x104: {  	v29 =	vmul.f32 v27, v27;
	v30 =	vmul.f32 v26, v26;
	v17 =	vsub.f32 v7, v13  }
0x105: {  	v7 =	vmul.f32 v14, v14;
	v31 =	vmul.f32 v6, v31;
	v22 =	vsub.f32 $1.500000000e+00, v22  }
0x106: {  	v34 =	vmul.f32 v15, v15;
	v23 =	vsub.f32 v9, v10;
	v10 =	vmul.f32 v18, v18  }
0x107: {  	v9 =	vmul.f32 v31, v8;
	v8 =	vmul.f32 v22, v16  }
0x108: {  	v28 =	vadd.f32 v10, v28;
	v22 =	vsub.f32 v12, v13;
	v16 =	vmul.f32 v17, v17  }
0x109: {  	v13 =	vand.u32 $0x7FFFFFFF, v5;
	v12 =	vand.u32 $0x7FFFFFFF, v9;
	v8 =	vmul.f32 v8, v11  }
0x10a: {  	v31 =	vmul.f32 v23, v23;
	v35 =	vmul.f32 v22, v22;
	v10 =	vmax.f32 v12, v13  }
0x10b: {  	v11 =	vand.u32 $0x7FFFFFFF, v4;
	v36 =	vmax.f32 v10, $1.000000000e-30;
	v10 =	vand.u32 $0x7FFFFFFF, v8  }
0x10c: {  	v16 =	vadd.f32 v16, v20;
	v20 =	vmax.f32 v10, v11;
	(erf) = vrcp.f32 v36  }
0x10d: {  	v28 =	vadd.f32 v30, v28;
	v29 =	vadd.f32 v35, v29;
	v20 =	vmax.f32 v20, $1.000000000e-30  }
0x10e: {  	v25 =	vadd.f32 v31, v25;
	v16 =	vadd.f32 v7, v16;
	(erf) = vrcp.f32 v20  }
0x10f: {  	v27 =	vmul.f32 v21, v27;
	v28 =	vadd.f32 $9.999999960e-13, v28;
	v20 =	vadd.f32 v34, v29  }
0x110: {  	v16 =	vadd.f32 $9.999999960e-13, v16;
	v29 =	vadd.f32 v33, v25;
	v25 =	vmul.f32 v19, v24  }
0x111: {  	v24 =	vshra.s32 v28, $0x1;
	v28 =	vmul.f32 $5.000000000e-01, v28;
	v19 =	vadd.f32 $9.999999960e-13, v20  }
0x112: {  	v6 =	vimm.f32 $0.0e+00;
	v34 =	vsub.s32 $0x5F3759DF, v24;
	v20 =	vadd.f32 $9.999999960e-13, v29  }
0x113: {  	v21 =	vshra.s32 v16, $0x1;
	v29 =	vmul.f32 $5.000000000e-01, v16;
	v24 =	vmul.f32 v34, v28  }
0x114: {  	v16 =	vshra.s32 v20, $0x1;
	v30 =	vmul.f32 $5.000000000e-01, v20;
	v20 =	vshra.s32 v19, $0x1  }
0x115: {  	v31 =	vmul.f32 $5.000000000e-01, v19;
	v36 =	vsub.s32 $0x5F3759DF, v16;
	v16 =	vmin.f32 v12, v13;
	v19 =	vpop (erf)  }
0x116: {  	v35 =	vsub.s32 $0x5F3759DF, v21;
	v37 =	vsub.s32 $0x5F3759DF, v20;
	v20 =	vmul.f32 v19, v16  }
0x117: {  	v21 =	vmin.f32 v10, v11;
	v24 =	vmul.f32 v34, v24;
	v16 =	vmul.f32 v35, v29;
	v63 =	vpop (erf)  }
0x118: {  	v19 =	vmul.f32 v36, v30;
	v41 =	vadd.f32 $1.000000000e+00, v20;
	v21 =	vmul.f32 v63, v21  }
0x119: {  	v7 =	vor.u32 s7, v0;
	v40 =	vmul.f32 v37, v31;
	v38 =	vmul.f32 v35, v16  }
0x11a: {  	s17 =	sadd.s32 $0xFFFFFFF0, s7;
	v39 =	vmul.f32 v36, v19;
	v19 =	vld [tilespmem:s31+$0x0];
	v33 =	vadd.f32 $1.000000000e+00, v21;
	(erf) = vrcp.f32 v41  }
0x11b: {  	s18 =	simm.s32 $0x1770;
	s16 =	smov.u32 s7;
	v26 =	vld [tilespmem:s31+$0xFFFFFFF0];
	v16 =	vor.u32 s17, v0;
	s17 =	simm.s32 $0x2;
	v41 =	vmul.f32 v37, v40;
	v40 =	vsub.f32 $1.500000000e+00, v24  }
.LBB2_4:
0x11c: {  	v24 =	vld [tilespmem:s18+$0xFFFFFF00];
	v38 =	vsub.f32 $1.500000000e+00, v38;
	v39 =	vsub.f32 $1.500000000e+00, v39;
	(erf) = vrcp.f32 v33  }
0x11d: {  	v18 =	vmul.f32 v18, v23;
	v33 =	vsub.f32 $1.500000000e+00, v41;
	v23 =	vmul.f32 v34, v40  }
0x11e: {  	vm0 =	vlt.s32 v16, v2;
	v34 =	vmul.f32 v35, v38;
	v35 =	vmul.f32 v36, v39  }
0x11f: {  	v33 =	vmul.f32 v37, v33;
	v36 =	vmul.f32 v23, v28;
	v19 =	vshll.u32 v19, $0x1  }
0x120: {  	v37 =	vmul.f32 v34, v29;
	v38 =	vmul.f32 v35, v30;
	v26 =	vshll.u32 v26, $0x1  }
0x121: {  	v16 =	vadd.s32 $0x2, v24;
	v39 =	vmul.f32 v33, v31;
	v36 =	vmul.f32 v36, v23  }
0x122: {  	v17 =	vmul.f32 v17, v22;
	v22 =	vmul.f32 v37, v34;
	v37 =	vadd.f32 $-1.000000000e+00, v20  }
0x123: {  	v38 =	vmul.f32 v38, v35;
	v39 =	vmul.f32 v39, v33;
	v36 =	vsub.f32 $1.500000000e+00, v36;
	v40 =	vpop (erf)  }
0x124: {  	v22 =	vsub.f32 $1.500000000e+00, v22;
	v37 =	vmul.f32 v40, v37;
	v40 =	vadd.f32 $-1.000000000e+00, v21  }
0x125: {  	vm2 =	vgt.f32 v20, $4.142135680e-01;
	v38 =	vsub.f32 $1.500000000e+00, v38;
	v39 =	vsub.f32 $1.500000000e+00, v39;
	v41 =	vpop (erf)  }
0x126: {  	v23 =	vmul.f32 v36, v23;
	v20 =	vsel vm2, v37, v20;
	v36 =	vmul.f32 v41, v40  }
0x127: {  	vm1 =	vgt.f32 v21, $4.142135680e-01;
	v22 =	vmul.f32 v22, v34;
	v34 =	vmul.f32 v20, v20  }
0x128: {  	v35 =	vmul.f32 v38, v35;
	v33 =	vmul.f32 v39, v33;
	v21 =	vsel vm1, v36, v21  }
0x129: {  	v18 =	vadd.f32 v18, v25;
	v25 =	vmul.f32 $8.053744580e-02, v34;
	v36 =	vmul.f32 v21, v21  }
0x12a: {  	v27 =	vadd.f32 v17, v27;
	v28 =	vmul.f32 v23, v28;
	v17 =	vmul.f32 v22, v29  }
0x12b: {  	v29 =	vmul.f32 v35, v30;
	v25 =	vadd.f32 $-1.387768540e-01, v25;
	v30 =	vmul.f32 $8.053744580e-02, v36  }
0x12c: {  	v32 =	vadd.f32 v32, v18;
	v31 =	vmul.f32 v33, v31;
	v18 =	vmul.f32 v28, v23  }
0x12d: {  	v17 =	vmul.f32 v17, v22;
	v25 =	vmul.f32 v25, v34;
	v28 =	vadd.f32 $-1.387768540e-01, v30  }
0x12e: {  	v29 =	vmul.f32 v29, v35;
	v30 =	vmul.f32 v31, v33;
	v31 =	vsub.f32 $1.500000000e+00, v18  }
0x12f: {  	v37 =	vsub.f32 $1.500000000e+00, v17;
	v18 =	vld [tilespmem:s18+$0xFFFFFEF0];
	v25 =	vadd.f32 $1.997771110e-01, v25;
	v28 =	vmul.f32 v28, v36  }
0x130: {  	v14 =	vmul.f32 v14, v15;
	v29 =	vsub.f32 $1.500000000e+00, v29;
	v15 =	vsub.f32 $1.500000000e+00, v30;
	v17 =	vld [tilespmem:s18+$0xFFFFFD00]  }
0x131: {  	v23 =	vmul.f32 v31, v23;
	v30 =	vld [tilespmem:s18+$0xFFFFFE00];
	v25 =	vmul.f32 v25, v34;
	v28 =	vadd.f32 $1.997771110e-01, v28  }
0x132: {  	v14 =	vadd.f32 v14, v27;
	v27 =	vmul.f32 v29, v35;
	v15 =	vmul.f32 v15, v33  }
0x133: {  	v22 =	vmul.f32 v37, v22;
	v25 =	vadd.f32 $-3.333294990e-01, v25;
	v28 =	vmul.f32 v28, v36  }
0x134: {  	v14 =	vmul.f32 v15, v14;
	v15 =	vmul.f32 v27, v32;
	v29 =	vadd.s32 $0x2, v18  }
0x135: {  	v27 =	vadd.s32 $0x2, v17;
	v25 =	vmul.f32 v25, v34;
	v28 =	vadd.f32 $-3.333294990e-01, v28  }
0x136: {  	v14 =	vmul.f32 v22, v14;
	v15 =	vmul.f32 v23, v15;
	v31 =	vadd.s32 $0x2, v30  }
0x137: {  	v23 =	vadd.s32 $0x1C9E, v19;
	v22 =	vmul.f32 v25, v20;
	v25 =	vmul.f32 v28, v36  }
0x138: {  	v14 =	vmax.f32 v14, $-9.999989860e-01;
	v15 =	vmax.f32 v15, $-9.999989860e-01;
	v28 =	vadd.s32 $0x1C9E, v26  }
0x139: {  	v15 =	vmin.f32 v15, $9.999989860e-01;
	v22 =	vadd.f32 v22, v20;
	v20 =	vmul.f32 v25, v21  }
0x13a: {  	v32 =	vadd.s32 $0x1C9F, v19;
	v14 =	vmin.f32 v14, $9.999989860e-01;
	v25 =	vmul.f32 v15, v15  }
0x13b: {  	v33 =	vmul.f32 v14, v14;
	v34 =	vadd.f32 $7.853981850e-01, v22;
	v21 =	vadd.f32 v20, v21  }
0x13c: {  	vm3 =	vlt.f32 v5, $0.0e+00;
	v5 =	vmovc v14;
	v19 =	vsub.f32 $1.000000000e+00, v25;
	v25 =	vadd.s32 $0x1C9F, v26  }
0x13d: {  	v20 =	vsub.f32 $1.000000000e+00, v33;
	v14 =	vld [tilespmem:s18+$0xFFFFFCF0];
	v22 =	vsel vm2, v34, v22;
	v26 =	vadd.f32 $7.853981850e-01, v21  }
0x13e: {  	v34 =	vshra.s32 v19, $0x1;
	v35 =	vmul.f32 $5.000000000e-01, v19;
	v33 =	vld [tilespmem:s18+$0xFFFFFDF0];
	v36 =	vsub.f32 $1.570796370e+00, v22  }
0x13f: {  	v38 =	vshra.s32 v20, $0x1;
	vm2 =	vgt.f32 v12, v13;
	v37 =	vld.idx.msk [tilespmem:v24+s2+$0x0], $0xffff;
	v12 =	vsel vm1, v26, v21  }
0x140: {  	v21 =	vmul.f32 $5.000000000e-01, v20;
	v13 =	vld.idx.msk [tilespmem:v18+s2+$0x0], $0xffff;
	v22 =	vsel vm2, v36, v22;
	v26 =	vsub.f32 $1.570796370e+00, v12  }
0x141: {  	vm1 =	vgt.f32 v10, v11;
	v36 =	vsub.s32 $0x5F3759DF, v38;
	v25 =	vld.idx.msk [tilespmem:v25+s2+$0x0], $0xffff;
	v38 =	vsub.f32 $3.141592740e+00, v22  }
0x142: {  	v11 =	vsub.s32 $0x5F3759DF, v34;
	v10 =	vmul.f32 v36, v21;
	v28 =	vld.idx.msk [tilespmem:v28+s2+$0x0], $0xffff;
	v12 =	vsel vm1, v26, v12  }
0x143: {  	v26 =	vmul.f32 v11, v35;
	v22 =	vsel vm3, v38, v22;
	v32 =	vld.idx.msk [tilespmem:v32+s2+$0x0], $0xffff;
	v34 =	vsub.f32 $3.141592740e+00, v12  }
0x144: {  	vm1 =	vlt.f32 v4, $0.0e+00;
	v4 =	vmovc v15;
	v10 =	vmul.f32 v36, v10;
	v38 =	vld.idx.msk [tilespmem:v17+s2+$0x0], $0xffff;
	v39 =	vsub.f32 $0.0e+00, v22  }
0x145: {  	vm2 =	vlt.f32 v9, $0.0e+00;
	v15 =	vmul.f32 v11, v26;
	v9 =	vld.idx.msk [tilespmem:v23+s2+$0x0], $0xffff;
	v12 =	vsel vm1, v34, v12  }
0x146: {  	v10 =	vsub.f32 $1.500000000e+00, v10;
	v23 =	vld.idx.msk [tilespmem:v30+s2+$0x0], $0xffff;
	v22 =	vsel vm2, v39, v22;
	v26 =	vsub.f32 $0.0e+00, v12  }
0x147: {  	v24 =	vadd.s32 $0x1, v24;
	vm1 =	vlt.f32 v8, $0.0e+00;
	v34 =	vld.idx.msk [tilespmem:v14+s2+$0x0], $0xffff;
	v22 =	vsub.f32 v22, v25  }
0x148: {  	v15 =	vsub.f32 $1.500000000e+00, v15;
	v10 =	vmul.f32 v36, v10;
	v8 =	vld.idx.msk [tilespmem:v33+s2+$0x0], $0xffff;
	v12 =	vsel vm1, v26, v12  }
0x149: {  	v25 =	vadd.s32 $0x2, v33;
	v16 =	vld.idx.msk [tilespmem:v16+s2+$0x0], $0xffff;
	v26 =	vmul.f32 v28, v22;
	v12 =	vsub.f32 v12, v32  }
0x14a: {  	v11 =	vmul.f32 v11, v15;
	v28 =	vadd.s32 $0x2, v14;
	v32 =	vmul.f32 v10, v21;
	v29 =	vld.idx.msk [tilespmem:v29+s2+$0x0], $0xffff  }
0x14b: {  	v15 =	vld.idx.msk [tilespmem:v27+s2+$0x0], $0xffff;
	v27 =	vadd.s32 $0x1, v30;
	v22 =	vmul.f32 v26, v22;
	v9 =	vmul.f32 v9, v12  }
0x14c: {  	v18 =	vadd.s32 $0x1, v18;
	v26 =	vadd.s32 $0x1, v33;
	v30 =	vld.idx.msk [tilespmem:v31+s2+$0x0], $0xffff;
	v31 =	vmul.f32 v11, v35  }
0x14d: {  	v32 =	vmul.f32 v32, v10;
	v24 =	vld.idx.msk [tilespmem:v24+s2+$0x0], $0xffff;
	v22 =	vnsel vm0, $0x0, v22;
	v9 =	vmul.f32 v9, v12  }
0x14e: {  	v17 =	vadd.s32 $0x1, v17;
	vm0 =	vlt.s32 v7, v2;
	v12 =	vld.idx.msk [tilespmem:v25+s2+$0x0], $0xffff;
	v6 =	vadd.f32 v22, v6  }
0x14f: {  	v22 =	vsub.f32 $1.500000000e+00, v32;
	v25 =	vmul.f32 v31, v11;
	v7 =	vld.idx.msk [tilespmem:v28+s2+$0x0], $0xffff;
	v9 =	vnsel vm0, $0x0, v9  }
0x150: {  	v31 =	vsub.f32 v37, v23;
	v28 =	vadd.s32 $0x1, v14;
	v27 =	vld.idx.msk [tilespmem:v27+s2+$0x0], $0xffff;
	v6 =	vadd.f32 v9, v6  }
0x151: {  	v32 =	vsub.f32 v13, v8;
	v10 =	vmul.f32 v22, v10;
	v13 =	vsub.f32 $1.500000000e+00, v25;
	v9 =	vld.idx.msk [tilespmem:v18+s2+$0x0], $0xffff  }
0x152: {  	v25 =	vsub.f32 v38, v23;
	v22 =	vld.idx.msk [tilespmem:v26+s2+$0x0], $0xffff;
	v26 =	vsub.f32 v34, v8  }
0x153: {  	v40 =	vsub.f32 v16, v30;
	v8 =	vmul.f32 v10, v21;
	v11 =	vmul.f32 v13, v11  }
0x154: {  	v16 =	vmul.f32 v32, v32;
	v21 =	vmul.f32 v31, v31;
	v14 =	vsub.f32 v29, v12;
	v13 =	vld.idx.msk [tilespmem:v17+s2+$0x0], $0xffff  }
0x155: {  	v42 =	vsub.f32 v15, v30;
	v8 =	vmul.f32 v8, v10;
	v17 =	vmul.f32 v11, v35  }
0x156: {  	v15 =	vsub.f32 v7, v12;
	v7 =	vmul.f32 v25, v25;
	v18 =	vsub.f32 v24, v27;
	v28 =	vld.idx.msk [tilespmem:v28+s2+$0x0], $0xffff  }
0x157: {  	s17 =	sadd.s32 $0x2, s17;
	v24 =	vmul.f32 v26, v26;
	v8 =	vsub.f32 $1.500000000e+00, v8;
	v12 =	vmul.f32 v17, v11  }
0x158: {  	p0 =	slt.u32 s17, $0xE;
	v30 =	vmul.f32 v40, v40;
	v29 =	vmul.f32 v14, v14;
	v17 =	vsub.f32 v9, v22  }
0x159: {  	v33 =	vmul.f32 v42, v42;
	v8 =	vmul.f32 v8, v10;
	v10 =	vsub.f32 $1.500000000e+00, v12  }
0x15a: {  	v34 =	vmul.f32 v15, v15;
	v23 =	vsub.f32 v13, v27;
	v27 =	vmul.f32 v18, v18  }
0x15b: {  	v9 =	vmul.f32 v8, v20;
	v8 =	vmul.f32 v10, v11  }
0x15c: {  	v20 =	vmul.f32 v17, v17;
	v22 =	vsub.f32 v28, v22;
	v28 =	vmul.f32 v23, v23  }
0x15d: {  	v13 =	vand.u32 $0x7FFFFFFF, v5;
	v12 =	vand.u32 $0x7FFFFFFF, v9;
	v8 =	vmul.f32 v8, v19  }
0x15e: {  	v21 =	vadd.f32 v27, v21;
	v19 =	vmul.f32 v22, v22;
	v10 =	vmax.f32 v12, v13  }
0x15f: {  	v11 =	vand.u32 $0x7FFFFFFF, v4;
	v27 =	vmax.f32 v10, $1.000000000e-30;
	v10 =	vand.u32 $0x7FFFFFFF, v8  }
0x160: {  	v16 =	vadd.f32 v20, v16;
	v20 =	vmax.f32 v10, v11;
	(erf) = vrcp.f32 v27  }
0x161: {  	v7 =	vadd.f32 v28, v7;
	v19 =	vadd.f32 v19, v24;
	v20 =	vmax.f32 v20, $1.000000000e-30  }
0x162: {  	s16 =	sadd.s32 $0x20, s16;
	v21 =	vadd.f32 v30, v21;
	v16 =	vadd.f32 v29, v16;
	(erf) = vrcp.f32 v20  }
0x163: {  	v19 =	vadd.f32 v34, v19;
	v20 =	vadd.f32 v33, v7;
	v7 =	vor.u32 s16, v0  }
0x164: {  	v25 =	vmul.f32 v31, v25;
	v21 =	vadd.f32 $9.999999960e-13, v21;
	v16 =	vadd.f32 $9.999999960e-13, v16  }
0x165: {  	v27 =	vmul.f32 v32, v26;
	v19 =	vadd.f32 $9.999999960e-13, v19;
	v20 =	vadd.f32 $9.999999960e-13, v20  }
0x166: {  	v26 =	vshra.s32 v21, $0x1;
	v28 =	vmul.f32 $5.000000000e-01, v21;
	v24 =	vshra.s32 v16, $0x1  }
0x167: {  	v29 =	vmul.f32 $5.000000000e-01, v16;
	v16 =	vshra.s32 v20, $0x1;
	v30 =	vmul.f32 $5.000000000e-01, v20  }
0x168: {  	v34 =	vsub.s32 $0x5F3759DF, v26;
	v31 =	vmul.f32 $5.000000000e-01, v19;
	v20 =	vshra.s32 v19, $0x1  }
0x169: {  	v35 =	vsub.s32 $0x5F3759DF, v24;
	v36 =	vsub.s32 $0x5F3759DF, v16;
	v16 =	vmin.f32 v12, v13;
	v19 =	vpop (erf)  }
0x16a: {  	v24 =	vmul.f32 v34, v28;
	v37 =	vsub.s32 $0x5F3759DF, v20;
	v20 =	vmul.f32 v19, v16  }
.Ltmp1:
0x16b: {  	v21 =	vmin.f32 v10, v11;
	v16 =	vmul.f32 v35, v29;
	v19 =	vmul.f32 v36, v30;
	v26 =	vpop (erf);
	(pc) =	sbr.rel @p0 .LBB2_4-.Ltmp1, $4  }
0x16c: {  	s19 =	sadd.s32 $0xFFFFFFF0, s16;
	v32 =	vmul.f32 v37, v31;
	v41 =	vadd.f32 $1.000000000e+00, v20;
	v21 =	vmul.f32 v26, v21  }
0x16d: {  	v24 =	vmul.f32 v34, v24;
	v38 =	vmul.f32 v35, v16;
	v16 =	vor.u32 s19, v0  }
0x16e: {  	v39 =	vmul.f32 v36, v19;
	v19 =	vld [tilespmem:s15+$0x0];
	v33 =	vadd.f32 $1.000000000e+00, v21;
	(erf) = vrcp.f32 v41  }
0x16f: {  	v41 =	vmul.f32 v37, v32;
	v32 =	vmul.f32 v40, v42;
	v40 =	vsub.f32 $1.500000000e+00, v24;
	v26 =	vld [tilespmem:s15+$0xFFFFFFF0];
	s15 =	smov.u32 s18;
	s18 =	sadd.s32 $0x20, s18  }
0x170: {  	_ = 	snop  }
0x171: {  	v24 =	vsub.f32 $1.500000000e+00, v41  }
0x172: {  	v39 =	vsub.f32 $1.500000000e+00, v39;
	v38 =	vsub.f32 $1.500000000e+00, v38  }
0x173: {  	v24 =	vmul.f32 v37, v24  }
0x174: {  	v36 =	vmul.f32 v36, v39;
	v35 =	vmul.f32 v35, v38  }
0x175: {  	v34 =	vmul.f32 v34, v40;
	v37 =	vmul.f32 v24, v31  }
0x176: {  	v48 =	vmul.f32 v36, v30;
	v49 =	vmul.f32 v35, v29  }
0x177: {  	v40 =	vmul.f32 v34, v28;
	v37 =	vmul.f32 v37, v24  }
0x178: {  	v38 =	vmul.f32 v48, v36;
	v39 =	vmul.f32 v49, v35  }
0x179: {  	v40 =	vmul.f32 v40, v34;
	v37 =	vsub.f32 $1.500000000e+00, v37  }
0x17a: {  	v18 =	vmul.f32 v18, v23;
	v38 =	vsub.f32 $1.500000000e+00, v38;
	v23 =	vsub.f32 $1.500000000e+00, v39  }
0x17b: {  	v17 =	vmul.f32 v17, v22;
	v22 =	vsub.f32 $1.500000000e+00, v40;
	v24 =	vmul.f32 v37, v24  }
0x17c: {  	v36 =	vmul.f32 v38, v36;
	v23 =	vmul.f32 v23, v35  }
0x17d: {  	v22 =	vmul.f32 v22, v34;
	v31 =	vmul.f32 v24, v31  }
0x17e: {  	v30 =	vmul.f32 v36, v30;
	v29 =	vmul.f32 v23, v29  }
0x17f: {  	v17 =	vadd.f32 v17, v27;
	v27 =	vmul.f32 v22, v28;
	v31 =	vmul.f32 v31, v24  }
0x180: {  	v28 =	vmul.f32 v30, v36;
	v29 =	vmul.f32 v29, v23  }
0x181: {  	v14 =	vmul.f32 v14, v15;
	v18 =	vadd.f32 v18, v25;
	v15 =	vsub.f32 $1.500000000e+00, v31  }
0x182: {  	v25 =	vmul.f32 v27, v22;
	v27 =	vsub.f32 $1.500000000e+00, v28;
	v28 =	vsub.f32 $1.500000000e+00, v29  }
0x183: {  	v14 =	vadd.f32 v14, v17;
	v15 =	vmul.f32 v15, v24  }
0x184: {  	v17 =	vsub.f32 $1.500000000e+00, v25;
	v23 =	vmul.f32 v28, v23  }
0x185: {  	v18 =	vadd.f32 v32, v18;
	v24 =	vmul.f32 v27, v36;
	v14 =	vmul.f32 v15, v14  }
0x186: {  	v15 =	vmul.f32 v17, v22  }
0x187: {  	v17 =	vmul.f32 v24, v18;
	v14 =	vmul.f32 v23, v14;
	_ =	sdelay $0x1  }
0x188: {  	v17 =	vmul.f32 v15, v17;
	v14 =	vmax.f32 v14, $-9.999989860e-01  }
0x189: {  	v15 =	vmin.f32 v14, $9.999989860e-01  }
0x18a: {  	v14 =	vmax.f32 v17, $-9.999989860e-01;
	v17 =	vmul.f32 v15, v15  }
0x18b: {  	v14 =	vmin.f32 v14, $9.999989860e-01  }
0x18c: {  	v18 =	vmul.f32 v14, v14;
	v17 =	vsub.f32 $1.000000000e+00, v17;
	_ =	sdelay $0x1  }
0x18d: {  	v22 =	vsub.f32 $1.000000000e+00, v18;
	v18 =	vshra.s32 v17, $0x1;
	v23 =	vmul.f32 $5.000000000e-01, v17  }
0x18e: {  	v18 =	vsub.s32 $0x5F3759DF, v18  }
0x18f: {  	v24 =	vshra.s32 v22, $0x1;
	v25 =	vmul.f32 $5.000000000e-01, v22;
	v27 =	vmul.f32 v18, v23  }
0x190: {  	v24 =	vsub.s32 $0x5F3759DF, v24  }
0x191: {  	v28 =	vmul.f32 v24, v25;
	v27 =	vmul.f32 v18, v27;
	_ =	sdelay $0x1  }
0x192: {  	v28 =	vmul.f32 v24, v28;
	v27 =	vsub.f32 $1.500000000e+00, v27;
	_ =	sdelay $0x1  }
0x193: {  	v18 =	vmul.f32 v18, v27;
	v27 =	vsub.f32 $1.500000000e+00, v28;
	_ =	sdelay $0x1  }
0x194: {  	v28 =	vmul.f32 v18, v23;
	v24 =	vmul.f32 v24, v27;
	_ =	sdelay $0x1  }
0x195: {  	v27 =	vmul.f32 v24, v25;
	v28 =	vmul.f32 v28, v18;
	_ =	sdelay $0x1  }
0x196: {  	v28 =	vsub.f32 $1.500000000e+00, v28;
	v27 =	vmul.f32 v27, v24;
	_ =	sdelay $0x1  }
0x197: {  	v18 =	vmul.f32 v28, v18;
	v27 =	vsub.f32 $1.500000000e+00, v27;
	_ =	sdelay $0x1  }
0x198: {  	v23 =	vmul.f32 v18, v23;
	v24 =	vmul.f32 v27, v24;
	_ =	sdelay $0x1  }
0x199: {  	v23 =	vmul.f32 v23, v18;
	v25 =	vmul.f32 v24, v25;
	_ =	sdelay $0x1  }
0x19a: {  	v23 =	vsub.f32 $1.500000000e+00, v23;
	v25 =	vmul.f32 v25, v24;
	_ =	sdelay $0x1  }
0x19b: {  	v18 =	vmul.f32 v23, v18;
	v23 =	vsub.f32 $1.500000000e+00, v25;
	_ =	sdelay $0x1  }
0x19c: {  	v18 =	vmul.f32 v18, v17;
	v17 =	vmul.f32 v23, v24;
	_ =	sdelay $0x1  }
0x19d: {  	v24 =	vand.u32 $0x7FFFFFFF, v15;
	v23 =	vand.u32 $0x7FFFFFFF, v18;
	v17 =	vmul.f32 v17, v22  }
0x19e: {  	(erf) = vrcp.f32 v33;
	v22 =	vmax.f32 v23, v24  }
0x19f: {  	v27 =	vand.u32 $0x7FFFFFFF, v14;
	v22 =	vmax.f32 v22, $1.000000000e-30;
	v25 =	vand.u32 $0x7FFFFFFF, v17  }
0x1a0: {  	v28 =	vmax.f32 v25, v27;
	(erf) = vrcp.f32 v22  }
0x1a1: {  	v22 =	vmax.f32 v28, $1.000000000e-30  }
0x1a2: {  	(erf) = vrcp.f32 v22;
	_ =	sdelay $0x4  }
0x1a3: {  	v22 =	vpop (erf)  }
0x1a4: {  	v29 =	vadd.f32 $-1.000000000e+00, v20;
	v28 =	vpop (erf)  }
0x1a5: {  	v30 =	vmin.f32 v23, v24;
	v31 =	vpop (erf)  }
0x1a6: {  	v22 =	vmul.f32 v22, v29;
	v29 =	vmul.f32 v31, v30  }
0x1a7: {  	vm2 =	vgt.f32 v20, $4.142135680e-01;
	v30 =	vadd.f32 $-1.000000000e+00, v21;
	v31 =	vmin.f32 v25, v27;
	v50 =	vpop (erf)  }
0x1a8: {  	v20 =	vsel vm2, v22, v20;
	v22 =	vadd.f32 $1.000000000e+00, v29;
	v31 =	vmul.f32 v50, v31  }
0x1a9: {  	v28 =	vmul.f32 v28, v30;
	v30 =	vmul.f32 v20, v20  }
0x1aa: {  	vm3 =	vgt.f32 v21, $4.142135680e-01;
	v32 =	vadd.f32 $1.000000000e+00, v31;
	(erf) = vrcp.f32 v22  }
0x1ab: {  	v21 =	vsel vm3, v28, v21;
	v22 =	vmul.f32 $8.053744580e-02, v30  }
0x1ac: {  	v28 =	vmul.f32 v21, v21;
	(erf) = vrcp.f32 v32  }
0x1ad: {  	v22 =	vadd.f32 $-1.387768540e-01, v22  }
0x1ae: {  	v51 =	vmul.f32 $8.053744580e-02, v28  }
0x1af: {  	v22 =	vmul.f32 v22, v30  }
0x1b0: {  	v32 =	vadd.f32 $-1.387768540e-01, v51  }
0x1b1: {  	v22 =	vadd.f32 $1.997771110e-01, v22  }
0x1b2: {  	v52 =	vadd.f32 $-1.000000000e+00, v29;
	v32 =	vmul.f32 v32, v28  }
0x1b3: {  	v22 =	vmul.f32 v22, v30;
	v53 =	vpop (erf)  }
0x1b4: {  	v54 =	vadd.f32 $-1.000000000e+00, v31;
	v32 =	vadd.f32 $1.997771110e-01, v32;
	v33 =	vmul.f32 v53, v52  }
0x1b5: {  	vm1 =	vgt.f32 v29, $4.142135680e-01;
	v22 =	vadd.f32 $-3.333294990e-01, v22;
	v55 =	vpop (erf)  }
0x1b6: {  	v32 =	vmul.f32 v32, v28;
	v29 =	vsel vm1, v33, v29;
	v56 =	vmul.f32 v55, v54  }
0x1b7: {  	vm0 =	vgt.f32 v31, $4.142135680e-01;
	v57 =	vmul.f32 v29, v29  }
0x1b8: {  	v22 =	vmul.f32 v22, v30;
	v30 =	vadd.f32 $-3.333294990e-01, v32;
	v31 =	vsel vm0, v56, v31  }
0x1b9: {  	v58 =	vmul.f32 $8.053744580e-02, v57;
	v33 =	vmul.f32 v31, v31  }
0x1ba: {  	v22 =	vmul.f32 v22, v20;
	v28 =	vmul.f32 v30, v28  }
0x1bb: {  	v30 =	vadd.f32 $-1.387768540e-01, v58;
	v59 =	vmul.f32 $8.053744580e-02, v33  }
0x1bc: {  	v20 =	vadd.f32 v22, v20;
	v22 =	vmul.f32 v28, v21  }
0x1bd: {  	v28 =	vmul.f32 v30, v57;
	v30 =	vadd.f32 $-1.387768540e-01, v59  }
0x1be: {  	v60 =	vadd.f32 $7.853981850e-01, v20;
	v21 =	vadd.f32 v22, v21  }
0x1bf: {  	v22 =	vshll.u32 v26, $0x1;
	v26 =	vadd.f32 $1.997771110e-01, v28;
	v28 =	vmul.f32 v30, v33  }
0x1c0: {  	v20 =	vsel vm2, v60, v20;
	v30 =	vadd.s32 $0x1C9F, v22;
	v61 =	vadd.f32 $7.853981850e-01, v21  }
0x1c1: {  	v62 =	vsub.f32 $1.570796370e+00, v20;
	v26 =	vmul.f32 v26, v57;
	v28 =	vadd.f32 $1.997771110e-01, v28  }
0x1c2: {  	vm2 =	vgt.f32 v12, v13;
	v12 =	vsel vm3, v61, v21  }
0x1c3: {  	v13 =	vsel vm2, v62, v20;
	v20 =	vadd.f32 $-3.333294990e-01, v26;
	v21 =	vmul.f32 v28, v33  }
0x1c4: {  	v19 =	vshll.u32 v19, $0x1;
	v22 =	vadd.s32 $0x1C9E, v22;
	vm2 =	vgt.f32 v10, v11  }
0x1c5: {  	v26 =	vsub.f32 $1.570796370e+00, v12;
	v10 =	vmul.f32 v20, v57;
	v11 =	vadd.f32 $-3.333294990e-01, v21  }
0x1c6: {  	vm3 =	vlt.f32 v5, $0.0e+00;
	v28 =	vsub.f32 $3.141592740e+00, v13;
	v5 =	vld.idx.msk [tilespmem:v30+s2+$0x0], $0xffff;
	v20 =	vadd.s32 $0x1C9E, v19  }
0x1c7: {  	v12 =	vsel vm2, v26, v12;
	v21 =	vld [tilespmem:s15+$0xFFFFFFF0];
	v10 =	vmul.f32 v10, v29;
	v11 =	vmul.f32 v11, v33  }
0x1c8: {  	v13 =	vsel vm3, v28, v13;
	vm2 =	vlt.f32 v4, $0.0e+00;
	v26 =	vsub.f32 $3.141592740e+00, v12  }
0x1c9: {  	v4 =	vld [tilespmem:s15+$0x0];
	v28 =	vsub.f32 $0.0e+00, v13;
	v10 =	vadd.f32 v10, v29;
	v11 =	vmul.f32 v11, v31  }
0x1ca: {  	v19 =	vadd.s32 $0x1C9F, v19;
	vm3 =	vlt.f32 v9, $0.0e+00;
	v9 =	vsel vm2, v26, v12  }
0x1cb: {  	v12 =	vsel vm3, v28, v13;
	v13 =	vadd.f32 $7.853981850e-01, v10;
	v11 =	vadd.f32 v11, v31  }
0x1cc: {  	v26 =	vsub.f32 $0.0e+00, v9;
	v5 =	vsub.f32 v12, v5;
	v12 =	vshll.u32 v21, $0x1  }
0x1cd: {  	v21 =	vadd.s32 $0x1C9F, v12;
	v10 =	vsel vm1, v13, v10;
	v13 =	vadd.f32 $7.853981850e-01, v11  }
0x1ce: {  	v22 =	vld.idx.msk [tilespmem:v22+s2+$0x0], $0xffff;
	v4 =	vshll.u32 v4, $0x1;
	v12 =	vadd.s32 $0x1C9E, v12;
	v28 =	vsub.f32 $1.570796370e+00, v10  }
0x1cf: {  	v19 =	vld.idx.msk [tilespmem:v19+s2+$0x0], $0xffff;
	v29 =	vadd.s32 $0x1C9F, v4;
	vm1 =	vgt.f32 v23, v24;
	v11 =	vsel vm0, v13, v11  }
0x1d0: {  	vm0 =	vlt.f32 v8, $0.0e+00;
	v8 =	vsel vm1, v28, v10;
	v10 =	vsub.f32 $1.570796370e+00, v11  }
0x1d1: {  	v4 =	vadd.s32 $0x1C9E, v4;
	v13 =	vld.idx.msk [tilespmem:v20+s2+$0x0], $0xffff;
	vm1 =	vgt.f32 v25, v27;
	v20 =	vsub.f32 $3.141592740e+00, v8  }
0x1d2: {  	v9 =	vsel vm0, v26, v9;
	vm0 =	vlt.f32 v15, $0.0e+00;
	v15 =	vld.idx.msk [tilespmem:v21+s2+$0x0], $0xffff;
	v10 =	vsel vm1, v10, v11  }
0x1d3: {  	v12 =	vld.idx.msk [tilespmem:v12+s2+$0x0], $0xffff;
	v11 =	vmul.f32 v22, v5;
	v8 =	vsel vm0, v20, v8;
	v20 =	vsub.f32 $3.141592740e+00, v10  }
0x1d4: {  	v9 =	vsub.f32 v9, v19;
	v19 =	vld.idx.msk [tilespmem:v29+s2+$0x0], $0xffff;
	vm0 =	vlt.f32 v14, $0.0e+00;
	v21 =	vsub.f32 $0.0e+00, v8  }
0x1d5: {  	vm1 =	vlt.f32 v18, $0.0e+00;
	v5 =	vmul.f32 v11, v5;
	v10 =	vsel vm0, v20, v10  }
0x1d6: {  	v4 =	vld.idx.msk [tilespmem:v4+s2+$0x0], $0xffff;
	v11 =	vmul.f32 v13, v9;
	v8 =	vsel vm1, v21, v8;
	v13 =	vsub.f32 $0.0e+00, v10  }
0x1d7: {  	vm0 =	vlt.s32 v16, v2;
	vm1 =	vlt.f32 v17, $0.0e+00;
	v8 =	vsub.f32 v8, v15  }
0x1d8: {  	v5 =	vnsel vm0, $0x0, v5;
	v9 =	vmul.f32 v11, v9;
	v10 =	vsel vm1, v13, v10  }
0x1d9: {  	s29 =	sadd.s32 $0x20, s16;
	vm0 =	vlt.s32 v7, v2;
	v7 =	vmul.f32 v12, v8;
	v10 =	vsub.f32 v10, v19  }
0x1da: {  	s16 =	sadd.s32 $0xFFFFFFF0, s29;
	v5 =	vadd.f32 v5, v6;
	v6 =	vnsel vm0, $0x0, v9  }
0x1db: {  	v9 =	vor.u32 s16, v0;
	v7 =	vmul.f32 v7, v8;
	v4 =	vmul.f32 v4, v10  }
0x1dc: {  	v5 =	vadd.f32 v6, v5;
	vm0 =	vlt.s32 v9, v2  }
0x1dd: {  	v6 =	vor.u32 s29, v0;
	v7 =	vnsel vm0, $0x0, v7;
	v4 =	vmul.f32 v4, v10  }
0x1de: {  	vm0 =	vlt.s32 v6, v2;
	v5 =	vadd.f32 v7, v5  }
0x1df: {  	v4 =	vnsel vm0, $0x0, v4  }
0x1e0: {  	v4 =	vadd.f32 v4, v5;
	_ =	sdelay $0x1  }
0x1e1: {  	s30 =	simm.s32 $0x1BB0;
	[tilespmem:$0x1D50] =	vst v4  }
0x1e2: {  	v4 =	vld [tilespmem:s30+$0xFFFFFF20]  }
0x1e3: {  	v5 =	vld [tilespmem:s30+$0xFFFFFF10]  }
0x1e4: {  	v6 =	vld [tilespmem:s30+$0xFFFFFD60]  }
0x1e5: {  	v7 =	vld [tilespmem:s30+$0xFFFFFE40]  }
0x1e6: {  	v8 =	vld [tilespmem:s30+$0xFFFFFD50]  }
0x1e7: {  	v9 =	vld [tilespmem:s30+$0xFFFFFE30]  }
0x1e8: {  	v10 =	vld [tilespmem:s30+$0xFFFFFC80]  }
0x1e9: {  	v11 =	vld [tilespmem:s30+$0xFFFFFC70]  }
0x1ea: {  	v12 =	vld.idx.msk [tilespmem:v4+s2+$0x0], $0xffff  }
0x1eb: {  	v13 =	vadd.s32 $0x1, v4;
	v14 =	vld.idx.msk [tilespmem:v5+s2+$0x0], $0xffff  }
0x1ec: {  	v16 =	vadd.s32 $0x1, v5;
	v15 =	vld.idx.msk [tilespmem:v6+s2+$0x0], $0xffff  }
0x1ed: {  	v19 =	vadd.s32 $0x2, v7;
	v17 =	vld.idx.msk [tilespmem:v7+s2+$0x0], $0xffff  }
0x1ee: {  	v21 =	vadd.s32 $0x1, v9;
	v18 =	vld.idx.msk [tilespmem:v8+s2+$0x0], $0xffff  }
0x1ef: {  	v22 =	vadd.s32 $0x1, v6;
	v20 =	vld.idx.msk [tilespmem:v9+s2+$0x0], $0xffff  }
0x1f0: {  	v23 =	vadd.s32 $0x1, v8;
	v13 =	vld.idx.msk [tilespmem:v13+s2+$0x0], $0xffff  }
0x1f1: {  	v24 =	vadd.s32 $0x2, v5;
	v16 =	vld.idx.msk [tilespmem:v16+s2+$0x0], $0xffff  }
0x1f2: {  	v4 =	vadd.s32 $0x2, v4;
	v19 =	vld.idx.msk [tilespmem:v19+s2+$0x0], $0xffff  }
0x1f3: {  	v7 =	vadd.s32 $0x1, v7;
	v21 =	vld.idx.msk [tilespmem:v21+s2+$0x0], $0xffff  }
0x1f4: {  	v6 =	vadd.s32 $0x2, v6;
	v22 =	vld.idx.msk [tilespmem:v22+s2+$0x0], $0xffff  }
0x1f5: {  	v9 =	vadd.s32 $0x2, v9;
	v23 =	vld.idx.msk [tilespmem:v23+s2+$0x0], $0xffff  }
0x1f6: {  	v8 =	vadd.s32 $0x2, v8;
	v24 =	vld.idx.msk [tilespmem:v24+s2+$0x0], $0xffff  }
0x1f7: {  	v4 =	vld.idx.msk [tilespmem:v4+s2+$0x0], $0xffff  }
0x1f8: {  	v7 =	vld.idx.msk [tilespmem:v7+s2+$0x0], $0xffff  }
0x1f9: {  	v26 =	vld.idx.msk [tilespmem:v6+s2+$0x0], $0xffff  }
0x1fa: {  	v25 =	vadd.s32 $0x1, v10;
	v27 =	vadd.s32 $0x1, v11;
	v12 =	vsub.f32 v12, v17;
	v9 =	vld.idx.msk [tilespmem:v9+s2+$0x0], $0xffff  }
0x1fb: {  	v28 =	vadd.s32 $0x2, v10;
	v5 =	vsub.f32 v20, v18;
	v31 =	vsub.f32 v17, v15;
	v8 =	vld.idx.msk [tilespmem:v8+s2+$0x0], $0xffff  }
0x1fc: {  	v14 =	vsub.f32 v14, v20;
	v17 =	vadd.s32 $0x2, v11;
	v11 =	vld.idx.msk [tilespmem:v11+s2+$0x0], $0xffff;
	v16 =	vsub.f32 v16, v21  }
0x1fd: {  	v20 =	vmul.f32 v31, v31;
	v29 =	vmul.f32 v5, v5;
	v6 =	vsub.f32 v21, v23  }
0x1fe: {  	v21 =	vmul.f32 v16, v5;
	v13 =	vsub.f32 v13, v7;
	v7 =	vsub.f32 v7, v22  }
0x1ff: {  	v50 =	vmul.f32 v6, v6;
	v51 =	vmul.f32 v14, v6;
	v4 =	vsub.f32 v4, v19  }
0x200: {  	v63 =	vsub.f32 v19, v26;
	v49 =	vsub.f32 v9, v8;
	v19 =	vmul.f32 v7, v7  }
0x201: {  	v9 =	vsub.f32 v24, v9;
	v11 =	vsub.f32 v18, v11;
	v30 =	vmul.f32 v13, v31  }
0x202: {  	v48 =	vmul.f32 v12, v7;
	v52 =	vmul.f32 v63, v63;
	v19 =	vadd.f32 v19, v20  }
0x203: {  	v25 =	vld.idx.msk [tilespmem:v25+s2+$0x0], $0xffff;
	v29 =	vadd.f32 v50, v29;
	v53 =	vmul.f32 v49, v49;
	v13 =	vmul.f32 v13, v63  }
0x204: {  	v17 =	vld.idx.msk [tilespmem:v17+s2+$0x0], $0xffff;
	v12 =	vmul.f32 v12, v63;
	v24 =	vmul.f32 v4, v31;
	v37 =	vadd.f32 v52, v19  }
0x205: {  	v16 =	vmul.f32 v16, v49;
	v20 =	vmul.f32 v4, v7;
	v34 =	vadd.f32 v53, v29;
	v4 =	vld.idx.msk [tilespmem:v10+s2+$0x0], $0xffff  }
0x206: {  	v57 =	vmul.f32 v14, v49;
	v19 =	vld.idx.msk [tilespmem:v28+s2+$0x0], $0xffff;
	v28 =	vmul.f32 $5.000000000e-01, v37;
	v29 =	vshra.s32 v37, $0x1  }
0x207: {  	v54 =	vshra.s32 v34, $0x1;
	v55 =	vmul.f32 $5.000000000e-01, v34;
	v29 =	vsub.s32 $0x5F3759DF, v29  }
0x208: {  	v43 =	vmul.f32 v49, v11;
	v38 =	vsub.s32 $0x5F3759DF, v54;
	v56 =	vmul.f32 v29, v28  }
0x209: {  	v22 =	vsub.f32 v22, v25;
	v11 =	vmul.f32 v6, v11;
	v14 =	vmul.f32 v38, v55  }
0x20a: {  	v10 =	vmul.f32 v9, v6;
	v8 =	vsub.f32 v8, v17;
	v25 =	vmul.f32 v29, v56  }
0x20b: {  	v4 =	vsub.f32 v15, v4;
	v15 =	vmul.f32 v9, v5;
	v9 =	vmul.f32 v38, v14  }
0x20c: {  	v27 =	vld.idx.msk [tilespmem:v27+s2+$0x0], $0xffff;
	v59 =	vmul.f32 v5, v8;
	v19 =	vsub.f32 v26, v19;
	v14 =	vsub.f32 $1.500000000e+00, v25  }
0x20d: {  	v26 =	vmul.f32 v63, v22;
	v42 =	vmul.f32 v63, v4;
	v9 =	vsub.f32 $1.500000000e+00, v9  }
0x20e: {  	v22 =	vmul.f32 v31, v22;
	v14 =	vmul.f32 v29, v14  }
0x20f: {  	v58 =	vmul.f32 v7, v19;
	v17 =	vmul.f32 v38, v9  }
0x210: {  	v25 =	vmul.f32 v31, v19;
	v9 =	vmul.f32 v14, v28  }
0x211: {  	v19 =	vsub.f32 v23, v27;
	v23 =	vmul.f32 v7, v4;
	v18 =	vmul.f32 v17, v55  }
0x212: {  	v15 =	vsub.f32 v57, v15;
	v29 =	vmul.f32 v6, v8;
	v8 =	vmul.f32 v9, v14  }
0x213: {  	v61 =	vsub.f32 v26, v58;
	v26 =	vsub.f32 v59, v43;
	v18 =	vmul.f32 v18, v17  }
0x214: {  	v27 =	vmul.f32 v49, v19;
	v9 =	vsub.f32 v30, v48;
	v30 =	vsub.f32 $1.500000000e+00, v8  }
0x215: {  	v60 =	vmul.f32 v5, v19;
	v8 =	vsub.f32 v21, v51;
	v21 =	vsub.f32 $1.500000000e+00, v18  }
0x216: {  	v19 =	vsub.f32 v12, v24;
	v23 =	vsub.f32 v23, v22;
	v12 =	vmul.f32 v30, v14  }
0x217: {  	v22 =	vsub.f32 v25, v42;
	v14 =	vsub.f32 v10, v16;
	v10 =	vmul.f32 v21, v17  }
0x218: {  	v24 =	vmul.f32 v15, v26;
	v18 =	vsub.f32 v20, v13;
	v13 =	vmul.f32 v12, v28  }
0x219: {  	v32 =	vmul.f32 v26, v49;
	v11 =	vsub.f32 v11, v60;
	v20 =	vmul.f32 v10, v55  }
0x21a: {  	v25 =	vmul.f32 v19, v22;
	v13 =	vmul.f32 v13, v12  }
0x21b: {  	v27 =	vsub.f32 v27, v29;
	v33 =	vmul.f32 v11, v6;
	v28 =	vmul.f32 v20, v10  }
0x21c: {  	s31 =	sadd.s32 $0xFFFFFFF0, s8;
	v16 =	vmul.f32 v9, v23;
	v17 =	vmul.f32 v8, v11;
	v13 =	vsub.f32 $1.500000000e+00, v13  }
0x21d: {  	v21 =	vmul.f32 v18, v61;
	v30 =	vmov s31;
	v29 =	vsub.f32 $1.500000000e+00, v28  }
0x21e: {  	v62 =	vld [tilespmem:s30+$0x0];
	vm1 =	vlt.u32 v30, v3;
	v30 =	vmul.f32 v22, v63;
	v12 =	vmul.f32 v13, v12  }
0x21f: {  	v44 =	vmov s8;
	v20 =	vmul.f32 v14, v27;
	v10 =	vmul.f32 v29, v10  }
0x220: {  	vm0 =	vlt.u32 v44, v3;
	v28 =	vmul.f32 v61, v7;
	v13 =	vld [tilespmem:s30+$0xFFFFFFF0];
	v12 =	vmul.f32 v12, v37  }
0x221: {  	v4 =	vimm.f32 $0.0e+00;
	v29 =	vmul.f32 v22, v31;
	v34 =	vmul.f32 v10, v34  }
0x222: {  	v22 =	vmul.f32 v23, v7;
	v23 =	vmul.f32 v23, v31;
	v12 =	vadd.f32 $9.999999960e-13, v12  }
0x223: {  	v31 =	vmul.f32 v61, v63;
	v10 =	vshll.u32 v62, $0x1;
	v63 =	vadd.f32 $9.999999960e-13, v34  }
0x224: {  	v34 =	vmul.f32 v11, v5;
	v11 =	vadd.s32 $0x1D1C, v62;
	(erf) = vrcp.f32 v12  }
0x225: {  	s17 =	smov.u32 s8;
	s15 =	simm.s32 $0x0;
	s16 =	simm.s32 $0x1BD0;
	v7 =	vshll.u32 v13, $0x1;
	v12 =	vmul.f32 v27, v49;
	(erf) = vrcp.f32 v63  }
.LBB2_6:
0x226: {  	v35 =	vld [tilespmem:s16+$0xFFFFFF20];
	v6 =	vmul.f32 v27, v6;
	v22 =	vsub.f32 v30, v22;
	v23 =	vsub.f32 v23, v31  }
0x227: {  	v30 =	vsub.f32 v32, v33;
	v5 =	vmul.f32 v26, v5;
	v27 =	vld [tilespmem:s16+$0xFFFFFF10];
	v12 =	vsub.f32 v34, v12  }
0x228: {  	v28 =	vsub.f32 v28, v29;
	v26 =	vld [tilespmem:s16+$0xFFFFFC80];
	v18 =	vmul.f32 v18, v22;
	v19 =	vmul.f32 v19, v23  }
0x229: {  	v5 =	vsub.f32 v6, v5;
	v6 =	vmul.f32 v14, v30;
	v22 =	vld [tilespmem:s16+$0xFFFFFD60];
	v12 =	vmul.f32 v15, v12  }
0x22a: {  	v9 =	vmul.f32 v9, v28;
	v15 =	vadd.f32 v25, v21;
	v14 =	vld [tilespmem:s16+$0xFFFFFE40];
	v18 =	vadd.f32 v19, v18  }
0x22b: {  	v20 =	vadd.f32 v24, v20;
	v5 =	vmul.f32 v8, v5;
	v19 =	vld [tilespmem:s16+$0xFFFFFD50];
	v23 =	vadd.f32 v12, v6  }
0x22c: {  	v21 =	vadd.s32 $0x1D1C, v13;
	v13 =	vadd.f32 v15, v16;
	v12 =	vld [tilespmem:s16+$0xFFFFFE30];
	v9 =	vadd.f32 v18, v9  }
0x22d: {  	v15 =	vadd.s32 $0x1, v35;
	v16 =	vadd.f32 v20, v17;
	v8 =	vld [tilespmem:s16+$0xFFFFFC70];
	v5 =	vadd.f32 v23, v5;
	v6 =	vpop (erf)  }
0x22e: {  	v18 =	vadd.s32 $0x2, v35;
	v23 =	vadd.f32 $9.999999960e-13, v13;
	v17 =	vld.idx.msk [tilespmem:v35+s2+$0x0], $0xffff;
	v32 =	vmul.f32 v6, v9;
	v6 =	vpop (erf)  }
0x22f: {  	v20 =	vadd.s32 $0x1, v27;
	v35 =	vadd.f32 $9.999999960e-13, v16;
	v24 =	vld.idx.msk [tilespmem:v27+s2+$0x0], $0xffff;
	v33 =	vmul.f32 v6, v5  }
0x230: {  	v6 =	vadd.s32 $0x2, v27;
	v9 =	vmul.f32 v23, v23;
	v5 =	vld.idx.msk [tilespmem:v26+s2+$0x0], $0xffff;
	v13 =	vmul.f32 v32, v32  }
0x231: {  	v25 =	vadd.s32 $0x1, v26;
	v27 =	vmul.f32 v35, v35;
	v16 =	vld.idx.msk [tilespmem:v22+s2+$0x0], $0xffff;
	v28 =	vmul.f32 v33, v33  }
0x232: {  	v26 =	vadd.s32 $0x2, v26;
	v29 =	vadd.s32 $0x1, v8;
	v30 =	vld.idx.msk [tilespmem:v14+s2+$0x0], $0xffff;
	v31 =	vadd.f32 v13, v9  }
0x233: {  	v34 =	vadd.s32 $0x2, v22;
	v13 =	vadd.s32 $0x2, v8;
	v9 =	vld.idx.msk [tilespmem:v19+s2+$0x0], $0xffff;
	v27 =	vadd.f32 v28, v27  }
0x234: {  	v36 =	vadd.s32 $0x2, v14;
	v28 =	vadd.s32 $0x2, v19;
	v37 =	vld.idx.msk [tilespmem:v12+s2+$0x0], $0xffff;
	v31 =	vadd.f32 $1.000000000e-30, v31  }
0x235: {  	v39 =	vadd.s32 $0x2, v12;
	v14 =	vadd.s32 $0x1, v14;
	v27 =	vadd.f32 $1.000000000e-30, v27;
	v41 =	vld.idx.msk [tilespmem:v11+s2+$0x0], $0xffff  }
0x236: {  	v11 =	vadd.s32 $0x1, v12;
	v12 =	vadd.s32 $0x1, v22;
	v15 =	vld.idx.msk [tilespmem:v15+s2+$0x0], $0xffff;
	v22 =	vshra.s32 v31, $0x1  }
0x237: {  	v43 =	vmul.f32 $5.000000000e-01, v31;
	v18 =	vld.idx.msk [tilespmem:v18+s2+$0x0], $0xffff;
	v38 =	vshra.s32 v27, $0x1;
	v42 =	vmul.f32 $5.000000000e-01, v27  }
0x238: {  	v19 =	vadd.s32 $0x1, v19;
	v22 =	vsub.s32 $0x5F3759DF, v22;
	v44 =	vld.idx.msk [tilespmem:v20+s2+$0x0], $0xffff;
	v45 =	vsub.s32 $0x5F3759DF, v38  }
0x239: {  	v40 =	vmul.f32 v22, v43;
	v20 =	vadd.s32 $0x1CB8, v10;
	v46 =	vld.idx.msk [tilespmem:v36+s2+$0x0], $0xffff;
	v38 =	vmul.f32 v45, v42  }
0x23a: {  	v31 =	vadd.s32 $0x1CEB, v10;
	v27 =	vadd.s32 $0x1CB8, v7;
	v36 =	vadd.s32 $0x1CEB, v7;
	v47 =	vld.idx.msk [tilespmem:v14+s2+$0x0], $0xffff  }
0x23b: {  	v48 =	vsub.f32 v17, v30;
	v49 =	vmul.f32 v22, v40;
	v11 =	vld.idx.msk [tilespmem:v11+s2+$0x0], $0xffff;
	v17 =	vmul.f32 v45, v38  }
0x23c: {  	v50 =	vsub.f32 v24, v37;
	v14 =	vsub.f32 v16, v5;
	v38 =	vadd.s32 $0x1CEA, v10;
	v51 =	vld.idx.msk [tilespmem:v12+s2+$0x0], $0xffff  }
0x23d: {  	v40 =	vadd.s32 $0x1CEA, v7;
	v12 =	vsub.f32 $1.500000000e+00, v49;
	v52 =	vld.idx.msk [tilespmem:v19+s2+$0x0], $0xffff;
	v10 =	vsub.f32 $1.500000000e+00, v17  }
0x23e: {  	v5 =	vsub.f32 v37, v9;
	v7 =	vsub.f32 v30, v16;
	vm2 =	veq.f32 v41, $1.000000000e+00;
	v37 =	vld.idx.msk [tilespmem:v34+s2+$0x0], $0xffff  }
0x23f: {  	vm3 =	veq.f32 v41, $2.000000000e+00;
	v12 =	vmul.f32 v22, v12;
	v24 =	vmul.f32 v45, v10;
	v30 =	vld.idx.msk [tilespmem:v21+s2+$0x0], $0xffff  }
0x240: {  	v49 =	vmul.f32 v7, v7;
	v21 =	vsub.f32 v15, v47;
	v45 =	vsub.f32 v18, v46;
	v22 =	vld.idx.msk [tilespmem:v6+s2+$0x0], $0xffff  }
0x241: {  	v44 =	vsub.f32 v44, v11;
	v17 =	vmul.f32 v12, v43;
	v39 =	vld.idx.msk [tilespmem:v39+s2+$0x0], $0xffff;
	v16 =	vmul.f32 v24, v42  }
0x242: {  	v53 =	vmul.f32 v5, v5;
	v10 =	vsub.f32 v47, v51;
	v15 =	vmul.f32 v21, v7;
	v34 =	vld.idx.msk [tilespmem:v28+s2+$0x0], $0xffff  }
0x243: {  	v6 =	vsub.f32 v11, v52;
	v28 =	vmul.f32 v17, v12;
	v18 =	vmul.f32 v16, v24  }
0x244: {  	v16 =	vmul.f32 v44, v5;
	v11 =	vsub.f32 v46, v37;
	v19 =	vmul.f32 v48, v10  }
0x245: {  	v17 =	vmul.f32 v50, v6;
	v28 =	vsub.f32 $1.500000000e+00, v28;
	v46 =	vsub.f32 $1.500000000e+00, v18  }
0x246: {  	vm4 =	veq.f32 v30, $1.000000000e+00;
	v18 =	vmul.f32 v45, v10;
	v21 =	vmul.f32 v21, v11;
	v47 =	vld.idx.msk [tilespmem:v25+s2+$0x0], $0xffff  }
0x247: {  	v22 =	vsub.f32 v22, v39;
	v54 =	vmul.f32 v28, v12;
	v46 =	vmul.f32 v46, v24  }
0x248: {  	v25 =	vmul.f32 v45, v7;
	v12 =	vsub.f32 v39, v34;
	v24 =	vmul.f32 v48, v11;
	v55 =	vld.idx.msk [tilespmem:v26+s2+$0x0], $0xffff  }
0x249: {  	vm5 =	veq.f32 v41, $3.000000000e+00;
	v39 =	vmul.f32 v46, v42;
	v42 =	vmul.f32 v54, v43  }
0x24a: {  	vm6 =	veq.f32 v30, $2.000000000e+00;
	v26 =	vmul.f32 v22, v6;
	v28 =	vmul.f32 v44, v12  }
0x24b: {  	vm7 =	veq.f32 v30, $3.000000000e+00;
	v41 =	vmul.f32 v39, v46;
	v42 =	vmul.f32 v42, v54  }
0x24c: {  	s15 =	sadd.s32 $0x2, s15;
	v30 =	vmul.f32 v22, v5;
	v39 =	vsub.f32 v51, v47;
	v43 =	vld.idx.msk [tilespmem:v29+s2+$0x0], $0xffff;
	v29 =	vmul.f32 v50, v12  }
0x24d: {  	p0 =	slt.u32 s15, $0xC;
	v22 =	vmul.f32 v10, v10;
	v41 =	vsub.f32 $1.500000000e+00, v41;
	v42 =	vsub.f32 $1.500000000e+00, v42  }
0x24e: {  	v44 =	vmul.f32 v6, v6;
	v47 =	vmul.f32 v11, v11;
	v45 =	vsub.f32 v37, v55  }
0x24f: {  	v22 =	vadd.f32 v22, v49;
	v41 =	vmul.f32 v41, v46;
	v42 =	vmul.f32 v42, v54  }
0x250: {  	v44 =	vadd.f32 v44, v53;
	v37 =	vmul.f32 v11, v39;
	v46 =	vmul.f32 v12, v12  }
0x251: {  	v22 =	vadd.f32 v47, v22;
	v47 =	vmul.f32 v41, v35;
	v48 =	vmul.f32 v42, v32  }
0x252: {  	v35 =	vsub.f32 v52, v43;
	v33 =	vmul.f32 v41, v33;
	v41 =	vmul.f32 v42, v23  }
0x253: {  	v23 =	vadd.f32 v46, v44;
	v32 =	vmul.f32 $5.000000000e-01, v22;
	v42 =	vadd.f32 v47, v47  }
0x254: {  	v43 =	vadd.f32 v33, v33;
	v44 =	vadd.f32 v48, v48;
	v46 =	vmul.f32 $4.000000000e+00, v41  }
0x255: {  	v49 =	vmul.f32 $4.000000000e+00, v47;
	v50 =	vadd.f32 v41, v41;
	v42 =	vmul.f32 v42, v47  }
0x256: {  	v51 =	vshra.s32 v22, $0x1;
	v44 =	vmul.f32 v44, v41;
	v46 =	vmul.f32 v46, v41  }
0x257: {  	v43 =	vmul.f32 v43, v47;
	v50 =	vmul.f32 v50, v41;
	v42 =	vadd.f32 $-1.000000000e+00, v42  }
0x258: {  	v49 =	vmul.f32 v49, v47;
	v52 =	vadd.f32 $-1.000000000e+00, v46;
	v53 =	vadd.f32 v44, v44  }
0x259: {  	v54 =	vshra.s32 v23, $0x1;
	v50 =	vadd.f32 $-1.000000000e+00, v50;
	v55 =	vadd.f32 v42, v42  }
0x25a: {  	v56 =	vmul.f32 $5.000000000e-01, v23;
	v57 =	vadd.f32 $-1.000000000e+00, v49;
	v58 =	vadd.f32 v43, v43  }
0x25b: {  	v49 =	vadd.f32 $-3.000000000e+00, v49;
	v59 =	vadd.f32 v50, v50;
	v55 =	vmul.f32 v55, v42  }
0x25c: {  	v46 =	vadd.f32 $-3.000000000e+00, v46;
	v52 =	vmul.f32 v52, v48;
	v53 =	vmul.f32 v50, v53;
	v40 =	vld.idx.msk [tilespmem:v40+s2+$0x0], $0xffff  }
0x25d: {  	v49 =	vmul.f32 v49, v47;
	v59 =	vmul.f32 v59, v50;
	v55 =	vadd.f32 $-1.000000000e+00, v55;
	v36 =	vld.idx.msk [tilespmem:v36+s2+$0x0], $0xffff  }
0x25e: {  	v51 =	vsub.s32 $0x5F3759DF, v51;
	v57 =	vmul.f32 v57, v33;
	v58 =	vmul.f32 v42, v58;
	v38 =	vld.idx.msk [tilespmem:v38+s2+$0x0], $0xffff  }
0x25f: {  	v46 =	vmul.f32 v46, v41;
	v49 =	vsel vm7, v49, v55;
	v55 =	vadd.f32 $-1.000000000e+00, v59  }
0x260: {  	v54 =	vsub.s32 $0x5F3759DF, v54;
	v42 =	vsel vm6, v42, v49;
	v49 =	vsel vm5, v52, v53;
	v31 =	vld.idx.msk [tilespmem:v31+s2+$0x0], $0xffff  }
0x261: {  	v13 =	vld.idx.msk [tilespmem:v13+s2+$0x0], $0xffff;
	v42 =	vsel vm4, v47, v42;
	v47 =	vsel vm7, v57, v58;
	v46 =	vsel vm5, v46, v55  }
0x262: {  	v43 =	vsel vm6, v43, v47;
	v27 =	vld.idx.msk [tilespmem:v27+s2+$0x0], $0xffff;
	v40 =	vmul.f32 v40, v42;
	v42 =	vsel vm3, v50, v46  }
0x263: {  	v33 =	vsel vm4, v33, v43;
	v41 =	vsel vm2, v41, v42;
	v42 =	vsel vm3, v44, v49  }
0x264: {  	v40 =	vadd.f32 $1.000000000e+00, v40;
	v33 =	vmul.f32 v36, v33;
	v20 =	vld.idx.msk [tilespmem:v20+s2+$0x0], $0xffff;
	v36 =	vmul.f32 v38, v41  }
0x265: {  	v38 =	vmul.f32 v54, v56;
	v41 =	vmul.f32 v51, v32;
	v42 =	vsel vm2, v48, v42  }
0x266: {  	v31 =	vmul.f32 v31, v42;
	v33 =	vadd.f32 v40, v33;
	v36 =	vadd.f32 $1.000000000e+00, v36  }
0x267: {  	v13 =	vsub.f32 v34, v13;
	v34 =	vmul.f32 v10, v45;
	v40 =	vmul.f32 v51, v41  }
0x268: {  	v38 =	vmul.f32 v54, v38;
	v8 =	vld.idx.msk [tilespmem:v8+s2+$0x0], $0xffff;
	v27 =	vmul.f32 v27, v33;
	v31 =	vadd.f32 v36, v31  }
0x269: {  	v33 =	vmul.f32 v7, v45;
	v36 =	vmul.f32 v11, v14;
	v40 =	vsub.f32 $1.500000000e+00, v40  }
0x26a: {  	v38 =	vsub.f32 $1.500000000e+00, v38;
	v27 =	vnsel vm1, $0x0, v27;
	v20 =	vmul.f32 v20, v31  }
0x26b: {  	v31 =	vmul.f32 v10, v14;
	v14 =	vmul.f32 v51, v40;
	v4 =	vadd.f32 v27, v4  }
0x26c: {  	v27 =	vmul.f32 v54, v38;
	v38 =	vmul.f32 v7, v39;
	v20 =	vnsel vm0, $0x0, v20  }
0x26d: {  	v39 =	vmul.f32 v12, v35;
	v40 =	vmul.f32 v14, v32;
	v4 =	vadd.f32 v20, v4  }
0x26e: {  	v8 =	vsub.f32 v9, v8;
	v20 =	vmul.f32 v6, v13;
	v9 =	vmul.f32 v27, v56  }
0x26f: {  	s17 =	sadd.s32 $0x20, s17;
	v13 =	vmul.f32 v5, v13;
	v40 =	vmul.f32 v40, v14  }
0x270: {  	v43 =	vmov s17;
	v41 =	vmul.f32 v12, v8;
	v42 =	vmul.f32 v9, v27  }
0x271: {  	v44 =	vmul.f32 v6, v8;
	v9 =	vsub.f32 v15, v19;
	v15 =	vsub.f32 $1.500000000e+00, v40  }
0x272: {  	v35 =	vmul.f32 v5, v35;
	v8 =	vsub.f32 v16, v17;
	v16 =	vsub.f32 $1.500000000e+00, v42  }
0x273: {  	v18 =	vsub.f32 v18, v21;
	v19 =	vsub.f32 v24, v25;
	v40 =	vmul.f32 v15, v14  }
0x274: {  	v14 =	vsub.f32 v26, v28;
	v15 =	vsub.f32 v29, v30;
	v29 =	vmul.f32 v16, v27  }
0x275: {  	v34 =	vsub.f32 v37, v34;
	v31 =	vsub.f32 v31, v38;
	v17 =	vmul.f32 v40, v32  }
0x276: {  	v35 =	vsub.f32 v44, v35;
	v30 =	vsub.f32 v33, v36;
	v21 =	vmul.f32 v29, v56  }
0x277: {  	v27 =	vsub.f32 v39, v20;
	v16 =	vmul.f32 v9, v31;
	v20 =	vmul.f32 v17, v40  }
0x278: {  	v26 =	vsub.f32 v13, v41;
	v17 =	vmul.f32 v8, v35;
	v13 =	vmul.f32 v21, v29  }
0x279: {  	v25 =	vmul.f32 v19, v30;
	v21 =	vmul.f32 v18, v34;
	v32 =	vsub.f32 $1.500000000e+00, v20;
	v36 =	vld [tilespmem:s16+$0x0]  }
0x27a: {  	v24 =	vmul.f32 v15, v26;
	v20 =	vmul.f32 v14, v27;
	v33 =	vsub.f32 $1.500000000e+00, v13  }
0x27b: {  	s18 =	sadd.s32 $0xFFFFFFF0, s17;
	vm0 =	vlt.u32 v43, v3;
	v28 =	vmul.f32 v34, v10;
	v32 =	vmul.f32 v32, v40  }
0x27c: {  	v37 =	vmov s18;
	v33 =	vmul.f32 v33, v29;
	v29 =	vmul.f32 v30, v7;
	v13 =	vld [tilespmem:s16+$0xFFFFFFF0]  }
0x27d: {  	vm1 =	vlt.u32 v37, v3;
	v30 =	vmul.f32 v30, v11;
	v32 =	vmul.f32 v32, v22  }
.Ltmp2:
0x27e: {  	v22 =	vmul.f32 v31, v10;
	v37 =	vmul.f32 v33, v23;
	v10 =	vshll.u32 v36, $0x1;
	(pc) =	sbr.rel @p0 .LBB2_6-.Ltmp2, $4  }
0x27f: {  	v23 =	vmul.f32 v31, v7;
	v31 =	vmul.f32 v34, v11;
	v11 =	vadd.f32 $9.999999960e-13, v32  }
0x280: {  	v33 =	vmul.f32 v35, v6;
	v32 =	vmul.f32 v26, v12;
	v37 =	vadd.f32 $9.999999960e-13, v37  }
0x281: {  	v34 =	vmul.f32 v35, v5;
	v7 =	vshll.u32 v13, $0x1;
	(erf) = vrcp.f32 v11  }
0x282: {  	s16 =	sadd.s32 $0x20, s16;
	v12 =	vmul.f32 v27, v12;
	v11 =	vadd.s32 $0x1D1C, v36;
	(erf) = vrcp.f32 v37  }
0x283: {  	v6 =	vmul.f32 v27, v6  }
0x284: {  	v60 =	vsub.f32 v32, v33;
	v5 =	vmul.f32 v26, v5;
	v12 =	vsub.f32 v34, v12  }
0x285: {  	v22 =	vsub.f32 v30, v22;
	v23 =	vsub.f32 v23, v31  }
0x286: {  	v5 =	vsub.f32 v6, v5;
	v62 =	vmul.f32 v14, v60;
	v12 =	vmul.f32 v15, v12  }
0x287: {  	v61 =	vsub.f32 v28, v29;
	v18 =	vmul.f32 v18, v22;
	v19 =	vmul.f32 v19, v23  }
0x288: {  	v22 =	vadd.f32 v24, v20;
	v5 =	vmul.f32 v8, v5;
	v6 =	vadd.f32 v12, v62  }
0x289: {  	v63 =	vadd.f32 v25, v21;
	v9 =	vmul.f32 v9, v61;
	v21 =	vadd.f32 v19, v18  }
0x28a: {  	v24 =	vadd.f32 v22, v17;
	v5 =	vadd.f32 v6, v5;
	v25 =	vpop (erf)  }
0x28b: {  	v23 =	vadd.f32 v63, v16;
	v9 =	vadd.f32 v21, v9;
	v26 =	vpop (erf)  }
0x28c: {  	v27 =	vadd.f32 $9.999999960e-13, v24;
	v5 =	vmul.f32 v26, v5  }
0x28d: {  	v8 =	vadd.f32 $9.999999960e-13, v23;
	v6 =	vmul.f32 v25, v9  }
0x28e: {  	v30 =	vmul.f32 v27, v27;
	v31 =	vmul.f32 v5, v5  }
0x28f: {  	v28 =	vmul.f32 v8, v8;
	v29 =	vmul.f32 v6, v6  }
0x290: {  	v32 =	vadd.f32 v31, v30  }
0x291: {  	v12 =	vadd.f32 v29, v28  }
0x292: {  	v14 =	vadd.f32 $1.000000000e-30, v32  }
0x293: {  	v12 =	vadd.f32 $1.000000000e-30, v12  }
0x294: {  	v34 =	vshra.s32 v14, $0x1;
	v14 =	vmul.f32 $5.000000000e-01, v14  }
0x295: {  	v33 =	vshra.s32 v12, $0x1;
	v12 =	vmul.f32 $5.000000000e-01, v12;
	v16 =	vsub.s32 $0x5F3759DF, v34  }
0x296: {  	v15 =	vsub.s32 $0x5F3759DF, v33;
	v35 =	vmul.f32 v16, v14  }
0x297: {  	v36 =	vmul.f32 v15, v12  }
0x298: {  	v17 =	vmul.f32 v16, v35  }
0x299: {  	v18 =	vmul.f32 v15, v36  }
0x29a: {  	v17 =	vsub.f32 $1.500000000e+00, v17  }
0x29b: {  	v18 =	vsub.f32 $1.500000000e+00, v18  }
0x29c: {  	v16 =	vmul.f32 v16, v17  }
0x29d: {  	v15 =	vmul.f32 v15, v18  }
0x29e: {  	v17 =	vmul.f32 v16, v14  }
0x29f: {  	v18 =	vmul.f32 v15, v12  }
0x2a0: {  	v17 =	vmul.f32 v17, v16  }
0x2a1: {  	v18 =	vmul.f32 v18, v15  }
0x2a2: {  	v17 =	vsub.f32 $1.500000000e+00, v17  }
0x2a3: {  	v18 =	vsub.f32 $1.500000000e+00, v18  }
0x2a4: {  	v16 =	vmul.f32 v17, v16  }
0x2a5: {  	v15 =	vmul.f32 v18, v15  }
0x2a6: {  	v14 =	vmul.f32 v16, v14  }
0x2a7: {  	v12 =	vmul.f32 v15, v12  }
0x2a8: {  	v14 =	vmul.f32 v14, v16  }
0x2a9: {  	v12 =	vmul.f32 v12, v15  }
0x2aa: {  	v14 =	vsub.f32 $1.500000000e+00, v14  }
0x2ab: {  	v11 =	vld.idx.msk [tilespmem:v11+s2+$0x0], $0xffff;
	v12 =	vsub.f32 $1.500000000e+00, v12  }
0x2ac: {  	v13 =	vadd.s32 $0x1D1C, v13;
	v37 =	vadd.s32 $0x1CB8, v10;
	v14 =	vmul.f32 v14, v16  }
0x2ad: {  	v38 =	vadd.s32 $0x1CB8, v7;
	v39 =	vadd.s32 $0x1CEB, v7;
	v12 =	vmul.f32 v12, v15  }
0x2ae: {  	v40 =	vadd.s32 $0x1CEB, v10;
	v41 =	vadd.s32 $0x1CEA, v10;
	v9 =	vmul.f32 v14, v27  }
0x2af: {  	v42 =	vadd.s32 $0x1CEA, v7;
	v6 =	vmul.f32 v12, v6;
	v8 =	vmul.f32 v12, v8  }
0x2b0: {  	vm2 =	veq.f32 v11, $1.000000000e+00;
	vm3 =	veq.f32 v11, $2.000000000e+00;
	v43 =	vadd.f32 v9, v9  }
0x2b1: {  	v13 =	vld.idx.msk [tilespmem:v13+s2+$0x0], $0xffff;
	v5 =	vmul.f32 v14, v5;
	v44 =	vadd.f32 v6, v6;
	v45 =	vmul.f32 $4.000000000e+00, v8  }
0x2b2: {  	v47 =	vadd.f32 v8, v8;
	v46 =	vmul.f32 $4.000000000e+00, v9;
	v12 =	vmul.f32 v43, v9  }
0x2b3: {  	vm4 =	veq.f32 v11, $3.000000000e+00;
	v19 =	vmul.f32 v44, v8;
	v20 =	vmul.f32 v45, v8  }
0x2b4: {  	v14 =	vadd.f32 v5, v5;
	v22 =	vmul.f32 v47, v8;
	v12 =	vadd.f32 $-1.000000000e+00, v12  }
0x2b5: {  	v21 =	vmul.f32 v46, v9;
	v48 =	vadd.f32 $-1.000000000e+00, v20;
	v49 =	vadd.f32 v19, v19  }
0x2b6: {  	vm5 =	veq.f32 v13, $2.000000000e+00;
	v22 =	vadd.f32 $-1.000000000e+00, v22;
	v50 =	vadd.f32 v12, v12  }
0x2b7: {  	v14 =	vmul.f32 v14, v9;
	v20 =	vadd.f32 $-3.000000000e+00, v20;
	v51 =	vadd.f32 $-1.000000000e+00, v21  }
0x2b8: {  	v21 =	vadd.f32 $-3.000000000e+00, v21;
	v53 =	vadd.f32 v22, v22;
	v11 =	vmul.f32 v50, v12  }
0x2b9: {  	v52 =	vadd.f32 v14, v14;
	v23 =	vmul.f32 v48, v6;
	v24 =	vmul.f32 v22, v49  }
0x2ba: {  	v7 =	vld.idx.msk [tilespmem:v42+s2+$0x0], $0xffff;
	v21 =	vmul.f32 v21, v9;
	v27 =	vmul.f32 v53, v22;
	v11 =	vadd.f32 $-1.000000000e+00, v11  }
0x2bb: {  	v10 =	vld.idx.msk [tilespmem:v41+s2+$0x0], $0xffff;
	vm6 =	veq.f32 v13, $3.000000000e+00;
	v20 =	vmul.f32 v20, v8;
	v25 =	vmul.f32 v51, v5  }
0x2bc: {  	v17 =	vld.idx.msk [tilespmem:v39+s2+$0x0], $0xffff;
	v26 =	vmul.f32 v12, v52;
	v54 =	vadd.f32 $-1.000000000e+00, v27;
	v11 =	vsel vm6, v21, v11  }
0x2bd: {  	vm7 =	veq.f32 v13, $1.000000000e+00;
	v55 =	vsel vm4, v23, v24;
	v11 =	vsel vm5, v12, v11  }
0x2be: {  	v56 =	vld.idx.msk [tilespmem:v40+s2+$0x0], $0xffff;
	v57 =	vsel vm6, v25, v26;
	v58 =	vsel vm4, v20, v54;
	v9 =	vsel vm7, v9, v11  }
0x2bf: {  	v59 =	vsel vm3, v22, v58;
	v11 =	vsel vm5, v14, v57;
	v7 =	vmul.f32 v7, v9  }
0x2c0: {  	v60 =	vld.idx.msk [tilespmem:v38+s2+$0x0], $0xffff;
	v61 =	vsel vm3, v19, v55;
	v8 =	vsel vm2, v8, v59;
	v5 =	vsel vm7, v5, v11  }
0x2c1: {  	v8 =	vmul.f32 v10, v8;
	v5 =	vmul.f32 v17, v5;
	v7 =	vadd.f32 $1.000000000e+00, v7  }
0x2c2: {  	v62 =	vld.idx.msk [tilespmem:v37+s2+$0x0], $0xffff;
	v6 =	vsel vm2, v6, v61  }
0x2c3: {  	v6 =	vmul.f32 v56, v6;
	v63 =	vadd.f32 $1.000000000e+00, v8;
	v5 =	vadd.f32 v7, v5;
	_ =	sdelay $0x1  }
0x2c4: {  	v6 =	vadd.f32 v63, v6;
	v5 =	vmul.f32 v60, v5;
	_ =	sdelay $0x1  }
0x2c5: {  	v6 =	vmul.f32 v62, v6;
	v5 =	vnsel vm1, $0x0, v5  }
0x2c6: {  	v4 =	vadd.f32 v5, v4  }
0x2c7: {  	v5 =	vnsel vm0, $0x0, v6  }
0x2c8: {  	s14 =	sadd.s32 $0x1, s14;
	v4 =	vadd.f32 v5, v4  }
0x2c9: {  	p0 =	sne.s32 s14, s5  }
.Ltmp3:
0x2ca: {  	[tilespmem:$0x1D60] =	vst v4;
	(pc) =	sbr.rel @p0 .LBB2_1-.Ltmp3, $4  }
0x2cb: {  	[hbm4b:s4+s10] =	stream.strided.scatter [tilespmem:s12], [sflag:$0x2], $0x30, s11, s10, $0x38;
	[tilespmem:$0x1D70] =	vst v63  }
0x2cc: {  	_ =	swait.ge [sflag:s13], $0x30  }
0x2cd: {  	[sflag:s13] =	ssyncset.done $0x0  }
0x2ce: {  	[sflag:s13] =	ssyncadd.s32 $0xFFFFFFD0  }
0x2cf: {  	_ =	sfence.sel $0x180000  }
0x2d0: {  	[bflag:$0x0] =	sbarrier.arrive $0xFFFF  }
0x2d1: {  	p0 =	sne.s32 s1, $0x0;
	_ =	strace $0x90000047  }
0x2d2: {  	s0 =	sadd.s32 @!p0 $0x100000, s0;
	[bflag:$0x2] =	sbarrier.arrive $0xFFFF  }
0x2d3: {  	[sflag:s0] =	ssyncadd.tile.s32 @!p0 $0x1;
	_ =	shalt  }
.Lfunc_end2:
_tile_overlayer_lowered:
.L_overlay_start_2:
0x2d4: {  	(tag) =	ssettag $0x2  }
0x2d5: {  	s0 =	rddreg [dreg:$0x0];
	s2 =	stileid.u32  }
0x2d6: {  	s1 =	rddreg [dreg:$0x1];
	p0 =	sne.s32 s2, $0x0  }
0x2d7: {  	s3 =	rddreg [dreg:$0x2];
	[bflag:$0x3] =	sbarrier.arrive $0xFFFF;
	s2 =	simm.s32 @!p0 $0x1C02  }
0x2d8: {  	[timem:s3], [sflag:s2] =	dma.local @!p0 [hbm:s0], s1  }
0x2d9: {  	s0 =	simm.s32 @!p0 $0x2  }
0x2da: {  	_ =	swait.ge @!p0 [sflag:s0], s1  }
0x2db: {  	s1 =	ssub.s32 @!p0 $0x0, s1;
	[sflag:s0] =	ssyncset.done @!p0 $0x0  }
0x2dc: {  	[sflag:s0] =	ssyncadd.s32 @!p0 s1  }
0x2dd: {  	[bflag:$0x3] =	sbarrier.arrive $0xFFFF  }
0x2de: {  	_ =	shalt  }

</sc_bundles>
